<compile_context>
chip_gen: v7x
topology: tpu7x:2x2x1
jax: 0.10.2.dev20260603
libtpu: 0.0.44.dev20260713+nightly
codegen_flags: <defaults>
</compile_context>

<pallas_src>
import functools

import jax
import jax.numpy as jnp
from jax import lax
from jax.experimental import pallas as pl
from jax.experimental.pallas import tpu as pltpu
from jax.experimental.pallas import tpu_sc as plsc

B, T, K = 1024, 200, 128
H = K + 5
NC, NS, L = 2, 16, 16
NW = NC * NS
ROWS = B // NW
NBATCH = ROWS // L

_LN2 = 0.6931471805599453


def _log_ge1(x):
    bits = lax.bitcast_convert_type(x, jnp.int32)
    e = (bits >> 23) - 127
    m = lax.bitcast_convert_type((bits & 0x007FFFFF) | 0x3F800000, jnp.float32)
    z = (m - 1.0) / (m + 1.0)
    z2 = z * z
    logm = 2.0 * z * (1.0 + z2 * (1.0 / 3.0 + z2 * (0.2 + z2 * (1.0 / 7.0))))
    return e.astype(jnp.float32) * _LN2 + logm


def _make_agg():
    mesh = plsc.VectorSubcoreMesh(core_axis_name="c", subcore_axis_name="s")

    @functools.partial(
        pl.kernel,
        out_type=jax.ShapeDtypeStruct((B * H,), jnp.float32),
        mesh=mesh,
        compiler_params=pltpu.CompilerParams(needs_layout_passes=False),
        scratch_types=[
            pltpu.VMEM((ROWS * T,), jnp.float32),
            pltpu.VMEM((ROWS * T,), jnp.int32),
            pltpu.VMEM((ROWS,), jnp.int32),
            pltpu.VMEM((ROWS * H,), jnp.float32),
            pltpu.SemaphoreType.DMA,
            pltpu.SemaphoreType.DMA,
            pltpu.SemaphoreType.DMA,
        ],
    )
    def agg(amt_hbm, mcc_hbm, sl_hbm, out_hbm, amt_v, mcc_v, sl_v, outb_v,
            sem_a, sem_m, sem_s):
        wid = lax.axis_index("s") * NC + lax.axis_index("c")
        h_a = pltpu.async_copy(amt_hbm.at[pl.ds(wid * (ROWS * T), ROWS * T)],
                               amt_v, sem_a)
        h_m = pltpu.async_copy(mcc_hbm.at[pl.ds(wid * (ROWS * T), ROWS * T)],
                               mcc_v, sem_m)
        h_s = pltpu.async_copy(sl_hbm.at[pl.ds(wid * ROWS, ROWS)], sl_v, sem_s)

        @plsc.parallel_loop(0, ROWS * H // L, 1, unroll=8)
        def _zero(i):
            outb_v[pl.ds(i * L, L)] = jnp.zeros((L,), jnp.float32)
        h_a.wait()
        h_m.wait()
        h_s.wait()

        lanes = lax.iota(jnp.int32, L)
        ones = jnp.full((L,), 1.0, jnp.float32)
        zeros = jnp.zeros((L,), jnp.float32)

        rowsT = [(lanes + nb * L) * T for nb in range(NBATCH)]
        rowsH = [(lanes + nb * L) * H for nb in range(NBATCH)]

        init = tuple((zeros, zeros, zeros) for _ in range(NBATCH))

        @plsc.parallel_loop(0, T, 1, unroll=4, carry=init)
        def sums(t, carry):
            new = []
            for nb in range(NBATCH):
                sp, sn, st = carry[nb]
                idx = rowsT[nb] + t
                a = plsc.load_gather(amt_v, [idx])
                code = plsc.load_gather(mcc_v, [idx])
                plsc.addupdate_scatter(outb_v, [rowsH[nb] + 4 + code], ones)
                new.append((sp + jnp.maximum(a, 0.0),
                            sn + jnp.minimum(a, 0.0),
                            st + a))
            return tuple(new)

        for nb in range(NBATCH):
            sp, sn, st = sums[nb]
            rH = rowsH[nb]
            sl_f = sl_v[pl.ds(nb * L, L)].astype(jnp.float32)
            plsc.store_scatter(outb_v, [rH], sl_f)
            plsc.store_scatter(outb_v, [rH + 1], _log_ge1(sp + 1.0))
            plsc.store_scatter(outb_v, [rH + 2], -_log_ge1(1.0 - sn))
            plsc.store_scatter(outb_v, [rH + 3], st / (sl_f + 1e-9))
            plsc.store_scatter(outb_v, [rH + 4], zeros)

        @plsc.parallel_loop(0, K - 1, 1, unroll=8,
                            carry=tuple(zeros for _ in range(NBATCH)))
        def distincts(k, accs):
            return tuple(
                accs[nb] + jnp.where(
                    plsc.load_gather(outb_v, [rowsH[nb] + 5 + k]) > 0.0,
                    1.0, 0.0)
                for nb in range(NBATCH))

        for nb in range(NBATCH):
            plsc.store_scatter(outb_v, [rowsH[nb] + (H - 1)], distincts[nb])

        pltpu.sync_copy(outb_v, out_hbm.at[pl.ds(wid * (ROWS * H), ROWS * H)])

    return agg


_agg = _make_agg()


def kernel(amount, mcc_code, seq_lens, ohe_mcc_code):
    del ohe_mcc_code
    out_flat = _agg(amount.reshape(-1), mcc_code.reshape(-1), seq_lens)
    return out_flat.reshape(B, H)

# --- scband reference (transcript-rebuilt; emitter-appended) ---
"""Pipeline reference for scband-agg-feature-model-51135880626856 (READ-ONLY COPY).

The authoritative reference and input builder live on the scoring server;
editing this copy changes nothing except your own understanding.
"""

import jax, jax.numpy as jnp
import numpy as np

B, T, K = 1024, 200, 128


def setup_inputs(seed: int = 0) -> dict:
    key = jax.random.key(seed)
    k1, k2, k3 = jax.random.split(key, 3)
    amount = jax.random.normal(k1, (B, T), dtype=jnp.float32)
    mcc_code = jax.random.randint(k2, (B, T), 0, K, dtype=jnp.int32)
    seq_lens = jax.random.randint(k3, (B,), 0, T, dtype=jnp.int32)
    ohe_mcc_code = jnp.eye(K, dtype=jnp.float32)
    return {"amount": amount, "mcc_code": mcc_code, "seq_lens": seq_lens, "ohe_mcc_code": ohe_mcc_code}


def reference(amount, mcc_code, seq_lens, ohe_mcc_code):
    eps = 1e-09
    Bv, Tv = amount.shape
    sl = seq_lens.astype(jnp.float32)
    processed = [sl[:, None]]
    val_orig = amount.astype(jnp.float32)
    # distribution_targets_task=True branch
    sum_pos = jnp.maximum(val_orig, 0.0).sum(axis=1)[:, None]
    processed.append(jnp.log(sum_pos + 1.0))
    sum_neg = jnp.minimum(val_orig, 0.0).sum(axis=1)[:, None]
    processed.append(-1.0 * jnp.log(-sum_neg + 1.0))
    mean_ = (val_orig.sum(axis=1) / (sl + eps))[:, None]
    processed.append(mean_)
    # embedding aggregation (count only)
    ohe = ohe_mcc_code
    val_embed = mcc_code.astype(jnp.int32)
    ohe_transform = ohe[val_embed.reshape(-1)].reshape(Bv, Tv, -1)
    m_sum = ohe_transform * val_orig[:, :, None]  # computed in torch even when unused
    mask = (1.0 - ohe[0])[None, :]
    e_cnt = ohe_transform.sum(axis=1) * mask
    processed.append(e_cnt)
    # second embeddings loop: number of distinct categories seen
    processed.append((e_cnt > 0.0).astype(jnp.float32).sum(axis=1, keepdims=True))
    out = jnp.concatenate(processed, axis=1)
    return out

if __name__ == "__main__":
    import jax
    _d = setup_inputs()
    print(jax.jit(kernel)(*tuple(_d.values())))

</pallas_src>

<mosaic_0001>
#map = affine_map<(d0, d1) -> (0)>
module attributes {stable_mosaic.version = 14 : i64} {
  func.func @agg(%arg0: i32, %arg1: i32, %arg2: memref<204800xf32, #tpu.memory_space<hbm>>, %arg3: memref<204800xi32, #tpu.memory_space<hbm>>, %arg4: memref<1024xi32, #tpu.memory_space<hbm>>, %arg5: memref<136192xf32, #tpu.memory_space<hbm>>, %arg6: memref<6400xf32, #tpu.memory_space<vmem>>, %arg7: memref<6400xi32, #tpu.memory_space<vmem>>, %arg8: memref<32xi32, #tpu.memory_space<vmem>>, %arg9: memref<4256xf32, #tpu.memory_space<vmem>>, %arg10: memref<!tpu.dma_semaphore, #tpu.memory_space<semaphore_mem>>, %arg11: memref<!tpu.dma_semaphore, #tpu.memory_space<semaphore_mem>>, %arg12: memref<!tpu.dma_semaphore, #tpu.memory_space<semaphore_mem>>) attributes {dimension_semantics = [#tpu.dimension_semantics<core_parallel>, #tpu.dimension_semantics<subcore_parallel>], iteration_bounds = array<i64: 2, 16>, scalar_prefetch = 0 : i64, scratch_operands = 7 : i64, tpu.core_type = #tpu.core_type<sc_vector_subcore>, window_params = [{transform_indices = #map}, {transform_indices = #map}, {transform_indices = #map}, {transform_indices = #map}]} {
    %mul3A = arith.constant 2 : i32
    %mul3A_0 = arith.muli %arg1, %mul3A : i32
    %add3A = arith.addi %mul3A_0, %arg0 : i32
    %mul3A_1 = arith.constant 6400 : i32
    %mul3A_2 = arith.muli %add3A, %mul3A_1 : i32
    %dma_start3A = tpu.memref_slice %arg2[%mul3A_2] : memref<204800xf32, #tpu.memory_space<hbm>> -> memref<6400xf32, #tpu.memory_space<hbm>>
    %dma_start3A_3 = tpu.memref_slice %arg2[%mul3A_2] : memref<204800xf32, #tpu.memory_space<hbm>> -> memref<6400xf32, #tpu.memory_space<hbm>>
    tpu.enqueue_dma source(%dma_start3A_3 : memref<6400xf32, #tpu.memory_space<hbm>>) target(%arg6 : memref<6400xf32, #tpu.memory_space<vmem>>) target_semaphore(%arg10 : memref<!tpu.dma_semaphore, #tpu.memory_space<semaphore_mem>>)
    %mul3A_4 = arith.constant 6400 : i32
    %mul3A_5 = arith.muli %add3A, %mul3A_4 : i32
    %dma_start3A_6 = tpu.memref_slice %arg3[%mul3A_5] : memref<204800xi32, #tpu.memory_space<hbm>> -> memref<6400xi32, #tpu.memory_space<hbm>>
    %dma_start3A_7 = tpu.memref_slice %arg3[%mul3A_5] : memref<204800xi32, #tpu.memory_space<hbm>> -> memref<6400xi32, #tpu.memory_space<hbm>>
    tpu.enqueue_dma source(%dma_start3A_7 : memref<6400xi32, #tpu.memory_space<hbm>>) target(%arg7 : memref<6400xi32, #tpu.memory_space<vmem>>) target_semaphore(%arg11 : memref<!tpu.dma_semaphore, #tpu.memory_space<semaphore_mem>>)
    %mul3A_8 = arith.constant 32 : i32
    %mul3A_9 = arith.muli %add3A, %mul3A_8 : i32
    %dma_start3A_10 = tpu.memref_slice %arg4[%mul3A_9] : memref<1024xi32, #tpu.memory_space<hbm>> -> memref<32xi32, #tpu.memory_space<hbm>>
    %dma_start3A_11 = tpu.memref_slice %arg4[%mul3A_9] : memref<1024xi32, #tpu.memory_space<hbm>> -> memref<32xi32, #tpu.memory_space<hbm>>
    tpu.enqueue_dma source(%dma_start3A_11 : memref<32xi32, #tpu.memory_space<hbm>>) target(%arg8 : memref<32xi32, #tpu.memory_space<vmem>>) target_semaphore(%arg12 : memref<!tpu.dma_semaphore, #tpu.memory_space<semaphore_mem>>)
    %parallel_loop3A = arith.constant 0 : i32
    %parallel_loop3A_12 = arith.constant 266 : i32
    %parallel_loop3A_13 = arith.constant 1 : i32
    scf.for %parallel_loop3A_289 = %parallel_loop3A to %parallel_loop3A_12 step %parallel_loop3A_13  : i32 {
      %parallel_loop3A_290 = arith.constant 0.000000e+00 : f32
      %parallel_loop3A_291 = vector.broadcast %parallel_loop3A_290 : f32 to vector<16xf32>
      %parallel_loop3A_292 = arith.constant 16 : i32
      %parallel_loop3A_293 = arith.muli %parallel_loop3A_289, %parallel_loop3A_292 : i32
      %parallel_loop3A_294 = arith.index_cast %parallel_loop3A_293 : i32 to index
      %parallel_loop3A_295 = tpu.vector_load %arg9[%parallel_loop3A_294] {strides = array<i32>} : memref<4256xf32, #tpu.memory_space<vmem>>, vector<16xf32>,
      tpu.vector_store %arg9[%parallel_loop3A_294], %parallel_loop3A_291 {strides = array<i32>} : memref<4256xf32, #tpu.memory_space<vmem>>, vector<16xf32>,
    } {sc.loop_unroll_factor = 8 : i64, sc.parallel_access}
    %dma_wait3A = tpu.memref_slice %arg2[%mul3A_2] : memref<204800xf32, #tpu.memory_space<hbm>> -> memref<6400xf32, #tpu.memory_space<hbm>>
    %dma_wait3A_14 = tpu.memref_slice %arg2[%mul3A_2] : memref<204800xf32, #tpu.memory_space<hbm>> -> memref<6400xf32, #tpu.memory_space<hbm>>
    tpu.wait_dma2 semaphore(%arg10 : memref<!tpu.dma_semaphore, #tpu.memory_space<semaphore_mem>>) src(%dma_wait3A_14 : memref<6400xf32, #tpu.memory_space<hbm>>) dst(%arg6 : memref<6400xf32, #tpu.memory_space<vmem>>)
    %dma_wait3A_15 = tpu.memref_slice %arg3[%mul3A_5] : memref<204800xi32, #tpu.memory_space<hbm>> -> memref<6400xi32, #tpu.memory_space<hbm>>
    %dma_wait3A_16 = tpu.memref_slice %arg3[%mul3A_5] : memref<204800xi32, #tpu.memory_space<hbm>> -> memref<6400xi32, #tpu.memory_space<hbm>>
    tpu.wait_dma2 semaphore(%arg11 : memref<!tpu.dma_semaphore, #tpu.memory_space<semaphore_mem>>) src(%dma_wait3A_16 : memref<6400xi32, #tpu.memory_space<hbm>>) dst(%arg7 : memref<6400xi32, #tpu.memory_space<vmem>>)
    %dma_wait3A_17 = tpu.memref_slice %arg4[%mul3A_9] : memref<1024xi32, #tpu.memory_space<hbm>> -> memref<32xi32, #tpu.memory_space<hbm>>
    %dma_wait3A_18 = tpu.memref_slice %arg4[%mul3A_9] : memref<1024xi32, #tpu.memory_space<hbm>> -> memref<32xi32, #tpu.memory_space<hbm>>
    tpu.wait_dma2 semaphore(%arg12 : memref<!tpu.dma_semaphore, #tpu.memory_space<semaphore_mem>>) src(%dma_wait3A_18 : memref<32xi32, #tpu.memory_space<hbm>>) dst(%arg8 : memref<32xi32, #tpu.memory_space<vmem>>)
    %iota3A = tpu.iota {dimensions = array<i32: 0>} : vector<16xi32>
    %broadcast_in_dim3A = arith.constant 1.000000e+00 : f32
    %broadcast_in_dim3A_19 = vector.broadcast %broadcast_in_dim3A : f32 to vector<16xf32>
    %broadcast_in_dim3A_20 = arith.constant 0.000000e+00 : f32
    %broadcast_in_dim3A_21 = vector.broadcast %broadcast_in_dim3A_20 : f32 to vector<16xf32>
    %add3A_22 = arith.constant 0 : i32
    %add3A_23 = vector.broadcast %add3A_22 : i32 to vector<16xi32>
    %add3A_24 = arith.addi %iota3A, %add3A_23 : vector<16xi32>
    %mul3A_25 = arith.constant 200 : i32
    %mul3A_26 = vector.broadcast %mul3A_25 : i32 to vector<16xi32>
    %mul3A_27 = arith.muli %add3A_24, %mul3A_26 : vector<16xi32>
    %add3A_28 = arith.constant 16 : i32
    %add3A_29 = vector.broadcast %add3A_28 : i32 to vector<16xi32>
    %add3A_30 = arith.addi %iota3A, %add3A_29 : vector<16xi32>
    %mul3A_31 = arith.constant 200 : i32
    %mul3A_32 = vector.broadcast %mul3A_31 : i32 to vector<16xi32>
    %mul3A_33 = arith.muli %add3A_30, %mul3A_32 : vector<16xi32>
    %add3A_34 = arith.constant 0 : i32
    %add3A_35 = vector.broadcast %add3A_34 : i32 to vector<16xi32>
    %add3A_36 = arith.addi %iota3A, %add3A_35 : vector<16xi32>
    %mul3A_37 = arith.constant 133 : i32
    %mul3A_38 = vector.broadcast %mul3A_37 : i32 to vector<16xi32>
    %mul3A_39 = arith.muli %add3A_36, %mul3A_38 : vector<16xi32>
    %add3A_40 = arith.constant 16 : i32
    %add3A_41 = vector.broadcast %add3A_40 : i32 to vector<16xi32>
    %add3A_42 = arith.addi %iota3A, %add3A_41 : vector<16xi32>
    %mul3A_43 = arith.constant 133 : i32
    %mul3A_44 = vector.broadcast %mul3A_43 : i32 to vector<16xi32>
    %mul3A_45 = arith.muli %add3A_42, %mul3A_44 : vector<16xi32>
    %parallel_loop3A_46 = arith.constant 0 : i32
    %parallel_loop3A_47 = arith.constant 200 : i32
    %parallel_loop3A_48 = arith.constant 1 : i32
    %parallel_loop3A_49:6 = scf.for %parallel_loop3A_289 = %parallel_loop3A_46 to %parallel_loop3A_47 step %parallel_loop3A_48 iter_args(%parallel_loop3A_290 = %broadcast_in_dim3A_21, %parallel_loop3A_291 = %broadcast_in_dim3A_21, %parallel_loop3A_292 = %broadcast_in_dim3A_21, %parallel_loop3A_293 = %broadcast_in_dim3A_21, %parallel_loop3A_294 = %broadcast_in_dim3A_21, %parallel_loop3A_295 = %broadcast_in_dim3A_21) -> (vector<16xf32>, vector<16xf32>, vector<16xf32>, vector<16xf32>, vector<16xf32>, vector<16xf32>)  : i32 {
      %parallel_loop3A_296 = vector.broadcast %parallel_loop3A_289 : i32 to vector<16xi32>
      %parallel_loop3A_297 = arith.addi %mul3A_27, %parallel_loop3A_296 : vector<16xi32>
      %parallel_loop3A_298 = tpu.vector_load_idx %arg6[%parallel_loop3A_297] : memref<6400xf32, #tpu.memory_space<vmem>>[vector<16xi32>], vector<16xf32>,
      %parallel_loop3A_299 = tpu.vector_load_idx %arg7[%parallel_loop3A_297] : memref<6400xi32, #tpu.memory_space<vmem>>[vector<16xi32>], vector<16xi32>,
      %parallel_loop3A_300 = arith.constant 4 : i32
      %parallel_loop3A_301 = vector.broadcast %parallel_loop3A_300 : i32 to vector<16xi32>
      %parallel_loop3A_302 = arith.addi %mul3A_39, %parallel_loop3A_301 : vector<16xi32>
      %parallel_loop3A_303 = arith.addi %parallel_loop3A_302, %parallel_loop3A_299 : vector<16xi32>
      tpu.vector_store_idx %arg9[%parallel_loop3A_303], %broadcast_in_dim3A_19 {add = true} : memref<4256xf32, #tpu.memory_space<vmem>>[vector<16xi32>], vector<16xf32>,
      %parallel_loop3A_304 = arith.constant 0.000000e+00 : f32
      %parallel_loop3A_305 = vector.broadcast %parallel_loop3A_304 : f32 to vector<16xf32>
      %parallel_loop3A_306 = arith.maximumf %parallel_loop3A_298, %parallel_loop3A_305 : vector<16xf32>
      %parallel_loop3A_307 = arith.addf %parallel_loop3A_290, %parallel_loop3A_306 : vector<16xf32>
      %parallel_loop3A_308 = arith.constant 0.000000e+00 : f32
      %parallel_loop3A_309 = vector.broadcast %parallel_loop3A_308 : f32 to vector<16xf32>
      %parallel_loop3A_310 = arith.minimumf %parallel_loop3A_298, %parallel_loop3A_309 : vector<16xf32>
      %parallel_loop3A_311 = arith.addf %parallel_loop3A_291, %parallel_loop3A_310 : vector<16xf32>
      %parallel_loop3A_312 = arith.addf %parallel_loop3A_292, %parallel_loop3A_298 : vector<16xf32>
      %parallel_loop3A_313 = vector.broadcast %parallel_loop3A_289 : i32 to vector<16xi32>
      %parallel_loop3A_314 = arith.addi %mul3A_33, %parallel_loop3A_313 : vector<16xi32>
      %parallel_loop3A_315 = tpu.vector_load_idx %arg6[%parallel_loop3A_314] : memref<6400xf32, #tpu.memory_space<vmem>>[vector<16xi32>], vector<16xf32>,
      %parallel_loop3A_316 = tpu.vector_load_idx %arg7[%parallel_loop3A_314] : memref<6400xi32, #tpu.memory_space<vmem>>[vector<16xi32>], vector<16xi32>,
      %parallel_loop3A_317 = arith.constant 4 : i32
      %parallel_loop3A_318 = vector.broadcast %parallel_loop3A_317 : i32 to vector<16xi32>
      %parallel_loop3A_319 = arith.addi %mul3A_45, %parallel_loop3A_318 : vector<16xi32>
      %parallel_loop3A_320 = arith.addi %parallel_loop3A_319, %parallel_loop3A_316 : vector<16xi32>
      tpu.vector_store_idx %arg9[%parallel_loop3A_320], %broadcast_in_dim3A_19 {add = true} : memref<4256xf32, #tpu.memory_space<vmem>>[vector<16xi32>], vector<16xf32>,
      %parallel_loop3A_321 = arith.constant 0.000000e+00 : f32
      %parallel_loop3A_322 = vector.broadcast %parallel_loop3A_321 : f32 to vector<16xf32>
      %parallel_loop3A_323 = arith.maximumf %parallel_loop3A_315, %parallel_loop3A_322 : vector<16xf32>
      %parallel_loop3A_324 = arith.addf %parallel_loop3A_293, %parallel_loop3A_323 : vector<16xf32>
      %parallel_loop3A_325 = arith.constant 0.000000e+00 : f32
      %parallel_loop3A_326 = vector.broadcast %parallel_loop3A_325 : f32 to vector<16xf32>
      %parallel_loop3A_327 = arith.minimumf %parallel_loop3A_315, %parallel_loop3A_326 : vector<16xf32>
      %parallel_loop3A_328 = arith.addf %parallel_loop3A_294, %parallel_loop3A_327 : vector<16xf32>
      %parallel_loop3A_329 = arith.addf %parallel_loop3A_295, %parallel_loop3A_315 : vector<16xf32>
      scf.yield %parallel_loop3A_307, %parallel_loop3A_311, %parallel_loop3A_312, %parallel_loop3A_324, %parallel_loop3A_328, %parallel_loop3A_329 : vector<16xf32>, vector<16xf32>, vector<16xf32>, vector<16xf32>, vector<16xf32>, vector<16xf32>
    } {sc.loop_unroll_factor = 4 : i64, sc.parallel_access}
    %get3A = arith.constant 0 : index
    %get3A_50 = tpu.vector_load %arg8[%get3A] {strides = array<i32>} : memref<32xi32, #tpu.memory_space<vmem>>, vector<16xi32>,
    %convert_element_type3A = arith.sitofp %get3A_50 : vector<16xi32> to vector<16xf32>
    tpu.vector_store_idx %arg9[%mul3A_39], %convert_element_type3A : memref<4256xf32, #tpu.memory_space<vmem>>[vector<16xi32>], vector<16xf32>,
    %add3A_51 = arith.constant 1 : i32
    %add3A_52 = vector.broadcast %add3A_51 : i32 to vector<16xi32>
    %add3A_53 = arith.addi %mul3A_39, %add3A_52 : vector<16xi32>
    %add3A_54 = arith.constant 1.000000e+00 : f32
    %add3A_55 = vector.broadcast %add3A_54 : f32 to vector<16xf32>
    %add3A_56 = arith.addf %parallel_loop3A_49#0, %add3A_55 : vector<16xf32>
    %bitcast_convert_type3A = tpu.bitcast %add3A_56 : vector<16xf32> -> vector<16xi32>
    %shift_right_arithmetic3A = arith.constant 23 : i32
    %shift_right_arithmetic3A_57 = vector.broadcast %shift_right_arithmetic3A : i32 to vector<16xi32>
    %shift_right_arithmetic3A_58 = arith.shrsi %bitcast_convert_type3A, %shift_right_arithmetic3A_57 : vector<16xi32>
    %sub3A = arith.constant 127 : i32
    %sub3A_59 = vector.broadcast %sub3A : i32 to vector<16xi32>
    %sub3A_60 = arith.subi %shift_right_arithmetic3A_58, %sub3A_59 : vector<16xi32>
    %and3A = arith.constant 8388607 : i32
    %and3A_61 = vector.broadcast %and3A : i32 to vector<16xi32>
    %and3A_62 = arith.andi %bitcast_convert_type3A, %and3A_61 : vector<16xi32>
    %or3A = arith.constant 1065353216 : i32
    %or3A_63 = vector.broadcast %or3A : i32 to vector<16xi32>
    %or3A_64 = arith.ori %and3A_62, %or3A_63 : vector<16xi32>
    %bitcast_convert_type3A_65 = tpu.bitcast %or3A_64 : vector<16xi32> -> vector<16xf32>
    %sub3A_66 = arith.constant 1.000000e+00 : f32
    %sub3A_67 = vector.broadcast %sub3A_66 : f32 to vector<16xf32>
    %sub3A_68 = arith.subf %bitcast_convert_type3A_65, %sub3A_67 : vector<16xf32>
    %add3A_69 = arith.constant 1.000000e+00 : f32
    %add3A_70 = vector.broadcast %add3A_69 : f32 to vector<16xf32>
    %add3A_71 = arith.addf %bitcast_convert_type3A_65, %add3A_70 : vector<16xf32>
    %div3A = arith.divf %sub3A_68, %add3A_71 : vector<16xf32>
    %mul3A_72 = arith.mulf %div3A, %div3A : vector<16xf32>
    %mul3A_73 = arith.constant 2.000000e+00 : f32
    %mul3A_74 = vector.broadcast %mul3A_73 : f32 to vector<16xf32>
    %mul3A_75 = arith.mulf %mul3A_74, %div3A : vector<16xf32>
    %mul3A_76 = arith.constant 0.142857149 : f32
    %mul3A_77 = vector.broadcast %mul3A_76 : f32 to vector<16xf32>
    %mul3A_78 = arith.mulf %mul3A_72, %mul3A_77 : vector<16xf32>
    %add3A_79 = arith.constant 2.000000e-01 : f32
    %add3A_80 = vector.broadcast %add3A_79 : f32 to vector<16xf32>
    %add3A_81 = arith.addf %add3A_80, %mul3A_78 : vector<16xf32>
    %mul3A_82 = arith.mulf %mul3A_72, %add3A_81 : vector<16xf32>
    %add3A_83 = arith.constant 0.333333343 : f32
    %add3A_84 = vector.broadcast %add3A_83 : f32 to vector<16xf32>
    %add3A_85 = arith.addf %add3A_84, %mul3A_82 : vector<16xf32>
    %mul3A_86 = arith.mulf %mul3A_72, %add3A_85 : vector<16xf32>
    %add3A_87 = arith.constant 1.000000e+00 : f32
    %add3A_88 = vector.broadcast %add3A_87 : f32 to vector<16xf32>
    %add3A_89 = arith.addf %add3A_88, %mul3A_86 : vector<16xf32>
    %mul3A_90 = arith.mulf %mul3A_75, %add3A_89 : vector<16xf32>
    %convert_element_type3A_91 = arith.sitofp %sub3A_60 : vector<16xi32> to vector<16xf32>
    %mul3A_92 = arith.constant 0.693147182 : f32
    %mul3A_93 = vector.broadcast %mul3A_92 : f32 to vector<16xf32>
    %mul3A_94 = arith.mulf %convert_element_type3A_91, %mul3A_93 : vector<16xf32>
    %add3A_95 = arith.addf %mul3A_94, %mul3A_90 : vector<16xf32>
    tpu.vector_store_idx %arg9[%add3A_53], %add3A_95 : memref<4256xf32, #tpu.memory_space<vmem>>[vector<16xi32>], vector<16xf32>,
    %add3A_96 = arith.constant 2 : i32
    %add3A_97 = vector.broadcast %add3A_96 : i32 to vector<16xi32>
    %add3A_98 = arith.addi %mul3A_39, %add3A_97 : vector<16xi32>
    %sub3A_99 = arith.constant 1.000000e+00 : f32
    %sub3A_100 = vector.broadcast %sub3A_99 : f32 to vector<16xf32>
    %sub3A_101 = arith.subf %sub3A_100, %parallel_loop3A_49#1 : vector<16xf32>
    %bitcast_convert_type3A_102 = tpu.bitcast %sub3A_101 : vector<16xf32> -> vector<16xi32>
    %shift_right_arithmetic3A_103 = arith.constant 23 : i32
    %shift_right_arithmetic3A_104 = vector.broadcast %shift_right_arithmetic3A_103 : i32 to vector<16xi32>
    %shift_right_arithmetic3A_105 = arith.shrsi %bitcast_convert_type3A_102, %shift_right_arithmetic3A_104 : vector<16xi32>
    %sub3A_106 = arith.constant 127 : i32
    %sub3A_107 = vector.broadcast %sub3A_106 : i32 to vector<16xi32>
    %sub3A_108 = arith.subi %shift_right_arithmetic3A_105, %sub3A_107 : vector<16xi32>
    %and3A_109 = arith.constant 8388607 : i32
    %and3A_110 = vector.broadcast %and3A_109 : i32 to vector<16xi32>
    %and3A_111 = arith.andi %bitcast_convert_type3A_102, %and3A_110 : vector<16xi32>
    %or3A_112 = arith.constant 1065353216 : i32
    %or3A_113 = vector.broadcast %or3A_112 : i32 to vector<16xi32>
    %or3A_114 = arith.ori %and3A_111, %or3A_113 : vector<16xi32>
    %bitcast_convert_type3A_115 = tpu.bitcast %or3A_114 : vector<16xi32> -> vector<16xf32>
    %sub3A_116 = arith.constant 1.000000e+00 : f32
    %sub3A_117 = vector.broadcast %sub3A_116 : f32 to vector<16xf32>
    %sub3A_118 = arith.subf %bitcast_convert_type3A_115, %sub3A_117 : vector<16xf32>
    %add3A_119 = arith.constant 1.000000e+00 : f32
    %add3A_120 = vector.broadcast %add3A_119 : f32 to vector<16xf32>
    %add3A_121 = arith.addf %bitcast_convert_type3A_115, %add3A_120 : vector<16xf32>
    %div3A_122 = arith.divf %sub3A_118, %add3A_121 : vector<16xf32>
    %mul3A_123 = arith.mulf %div3A_122, %div3A_122 : vector<16xf32>
    %mul3A_124 = arith.constant 2.000000e+00 : f32
    %mul3A_125 = vector.broadcast %mul3A_124 : f32 to vector<16xf32>
    %mul3A_126 = arith.mulf %mul3A_125, %div3A_122 : vector<16xf32>
    %mul3A_127 = arith.constant 0.142857149 : f32
    %mul3A_128 = vector.broadcast %mul3A_127 : f32 to vector<16xf32>
    %mul3A_129 = arith.mulf %mul3A_123, %mul3A_128 : vector<16xf32>
    %add3A_130 = arith.constant 2.000000e-01 : f32
    %add3A_131 = vector.broadcast %add3A_130 : f32 to vector<16xf32>
    %add3A_132 = arith.addf %add3A_131, %mul3A_129 : vector<16xf32>
    %mul3A_133 = arith.mulf %mul3A_123, %add3A_132 : vector<16xf32>
    %add3A_134 = arith.constant 0.333333343 : f32
    %add3A_135 = vector.broadcast %add3A_134 : f32 to vector<16xf32>
    %add3A_136 = arith.addf %add3A_135, %mul3A_133 : vector<16xf32>
    %mul3A_137 = arith.mulf %mul3A_123, %add3A_136 : vector<16xf32>
    %add3A_138 = arith.constant 1.000000e+00 : f32
    %add3A_139 = vector.broadcast %add3A_138 : f32 to vector<16xf32>
    %add3A_140 = arith.addf %add3A_139, %mul3A_137 : vector<16xf32>
    %mul3A_141 = arith.mulf %mul3A_126, %add3A_140 : vector<16xf32>
    %convert_element_type3A_142 = arith.sitofp %sub3A_108 : vector<16xi32> to vector<16xf32>
    %mul3A_143 = arith.constant 0.693147182 : f32
    %mul3A_144 = vector.broadcast %mul3A_143 : f32 to vector<16xf32>
    %mul3A_145 = arith.mulf %convert_element_type3A_142, %mul3A_144 : vector<16xf32>
    %add3A_146 = arith.addf %mul3A_145, %mul3A_141 : vector<16xf32>
    %neg3A = arith.constant 0.000000e+00 : f32
    %neg3A_147 = vector.broadcast %neg3A : f32 to vector<16xf32>
    %neg3A_148 = arith.subf %neg3A_147, %add3A_146 : vector<16xf32>
    tpu.vector_store_idx %arg9[%add3A_98], %neg3A_148 : memref<4256xf32, #tpu.memory_space<vmem>>[vector<16xi32>], vector<16xf32>,
    %add3A_149 = arith.constant 3 : i32
    %add3A_150 = vector.broadcast %add3A_149 : i32 to vector<16xi32>
    %add3A_151 = arith.addi %mul3A_39, %add3A_150 : vector<16xi32>
    %add3A_152 = arith.constant 9.99999971E-10 : f32
    %add3A_153 = vector.broadcast %add3A_152 : f32 to vector<16xf32>
    %add3A_154 = arith.addf %convert_element_type3A, %add3A_153 : vector<16xf32>
    %div3A_155 = arith.divf %parallel_loop3A_49#2, %add3A_154 : vector<16xf32>
    tpu.vector_store_idx %arg9[%add3A_151], %div3A_155 : memref<4256xf32, #tpu.memory_space<vmem>>[vector<16xi32>], vector<16xf32>,
    %add3A_156 = arith.constant 4 : i32
    %add3A_157 = vector.broadcast %add3A_156 : i32 to vector<16xi32>
    %add3A_158 = arith.addi %mul3A_39, %add3A_157 : vector<16xi32>
    tpu.vector_store_idx %arg9[%add3A_158], %broadcast_in_dim3A_21 : memref<4256xf32, #tpu.memory_space<vmem>>[vector<16xi32>], vector<16xf32>,
    %get3A_159 = arith.constant 16 : index
    %get3A_160 = tpu.vector_load %arg8[%get3A_159] {strides = array<i32>} : memref<32xi32, #tpu.memory_space<vmem>>, vector<16xi32>,
    %convert_element_type3A_161 = arith.sitofp %get3A_160 : vector<16xi32> to vector<16xf32>
    tpu.vector_store_idx %arg9[%mul3A_45], %convert_element_type3A_161 : memref<4256xf32, #tpu.memory_space<vmem>>[vector<16xi32>], vector<16xf32>,
    %add3A_162 = arith.constant 1 : i32
    %add3A_163 = vector.broadcast %add3A_162 : i32 to vector<16xi32>
    %add3A_164 = arith.addi %mul3A_45, %add3A_163 : vector<16xi32>
    %add3A_165 = arith.constant 1.000000e+00 : f32
    %add3A_166 = vector.broadcast %add3A_165 : f32 to vector<16xf32>
    %add3A_167 = arith.addf %parallel_loop3A_49#3, %add3A_166 : vector<16xf32>
    %bitcast_convert_type3A_168 = tpu.bitcast %add3A_167 : vector<16xf32> -> vector<16xi32>
    %shift_right_arithmetic3A_169 = arith.constant 23 : i32
    %shift_right_arithmetic3A_170 = vector.broadcast %shift_right_arithmetic3A_169 : i32 to vector<16xi32>
    %shift_right_arithmetic3A_171 = arith.shrsi %bitcast_convert_type3A_168, %shift_right_arithmetic3A_170 : vector<16xi32>
    %sub3A_172 = arith.constant 127 : i32
    %sub3A_173 = vector.broadcast %sub3A_172 : i32 to vector<16xi32>
    %sub3A_174 = arith.subi %shift_right_arithmetic3A_171, %sub3A_173 : vector<16xi32>
    %and3A_175 = arith.constant 8388607 : i32
    %and3A_176 = vector.broadcast %and3A_175 : i32 to vector<16xi32>
    %and3A_177 = arith.andi %bitcast_convert_type3A_168, %and3A_176 : vector<16xi32>
    %or3A_178 = arith.constant 1065353216 : i32
    %or3A_179 = vector.broadcast %or3A_178 : i32 to vector<16xi32>
    %or3A_180 = arith.ori %and3A_177, %or3A_179 : vector<16xi32>
    %bitcast_convert_type3A_181 = tpu.bitcast %or3A_180 : vector<16xi32> -> vector<16xf32>
    %sub3A_182 = arith.constant 1.000000e+00 : f32
    %sub3A_183 = vector.broadcast %sub3A_182 : f32 to vector<16xf32>
    %sub3A_184 = arith.subf %bitcast_convert_type3A_181, %sub3A_183 : vector<16xf32>
    %add3A_185 = arith.constant 1.000000e+00 : f32
    %add3A_186 = vector.broadcast %add3A_185 : f32 to vector<16xf32>
    %add3A_187 = arith.addf %bitcast_convert_type3A_181, %add3A_186 : vector<16xf32>
    %div3A_188 = arith.divf %sub3A_184, %add3A_187 : vector<16xf32>
    %mul3A_189 = arith.mulf %div3A_188, %div3A_188 : vector<16xf32>
    %mul3A_190 = arith.constant 2.000000e+00 : f32
    %mul3A_191 = vector.broadcast %mul3A_190 : f32 to vector<16xf32>
    %mul3A_192 = arith.mulf %mul3A_191, %div3A_188 : vector<16xf32>
    %mul3A_193 = arith.constant 0.142857149 : f32
    %mul3A_194 = vector.broadcast %mul3A_193 : f32 to vector<16xf32>
    %mul3A_195 = arith.mulf %mul3A_189, %mul3A_194 : vector<16xf32>
    %add3A_196 = arith.constant 2.000000e-01 : f32
    %add3A_197 = vector.broadcast %add3A_196 : f32 to vector<16xf32>
    %add3A_198 = arith.addf %add3A_197, %mul3A_195 : vector<16xf32>
    %mul3A_199 = arith.mulf %mul3A_189, %add3A_198 : vector<16xf32>
    %add3A_200 = arith.constant 0.333333343 : f32
    %add3A_201 = vector.broadcast %add3A_200 : f32 to vector<16xf32>
    %add3A_202 = arith.addf %add3A_201, %mul3A_199 : vector<16xf32>
    %mul3A_203 = arith.mulf %mul3A_189, %add3A_202 : vector<16xf32>
    %add3A_204 = arith.constant 1.000000e+00 : f32
    %add3A_205 = vector.broadcast %add3A_204 : f32 to vector<16xf32>
    %add3A_206 = arith.addf %add3A_205, %mul3A_203 : vector<16xf32>
    %mul3A_207 = arith.mulf %mul3A_192, %add3A_206 : vector<16xf32>
    %convert_element_type3A_208 = arith.sitofp %sub3A_174 : vector<16xi32> to vector<16xf32>
    %mul3A_209 = arith.constant 0.693147182 : f32
    %mul3A_210 = vector.broadcast %mul3A_209 : f32 to vector<16xf32>
    %mul3A_211 = arith.mulf %convert_element_type3A_208, %mul3A_210 : vector<16xf32>
    %add3A_212 = arith.addf %mul3A_211, %mul3A_207 : vector<16xf32>
    tpu.vector_store_idx %arg9[%add3A_164], %add3A_212 : memref<4256xf32, #tpu.memory_space<vmem>>[vector<16xi32>], vector<16xf32>,
    %add3A_213 = arith.constant 2 : i32
    %add3A_214 = vector.broadcast %add3A_213 : i32 to vector<16xi32>
    %add3A_215 = arith.addi %mul3A_45, %add3A_214 : vector<16xi32>
    %sub3A_216 = arith.constant 1.000000e+00 : f32
    %sub3A_217 = vector.broadcast %sub3A_216 : f32 to vector<16xf32>
    %sub3A_218 = arith.subf %sub3A_217, %parallel_loop3A_49#4 : vector<16xf32>
    %bitcast_convert_type3A_219 = tpu.bitcast %sub3A_218 : vector<16xf32> -> vector<16xi32>
    %shift_right_arithmetic3A_220 = arith.constant 23 : i32
    %shift_right_arithmetic3A_221 = vector.broadcast %shift_right_arithmetic3A_220 : i32 to vector<16xi32>
    %shift_right_arithmetic3A_222 = arith.shrsi %bitcast_convert_type3A_219, %shift_right_arithmetic3A_221 : vector<16xi32>
    %sub3A_223 = arith.constant 127 : i32
    %sub3A_224 = vector.broadcast %sub3A_223 : i32 to vector<16xi32>
    %sub3A_225 = arith.subi %shift_right_arithmetic3A_222, %sub3A_224 : vector<16xi32>
    %and3A_226 = arith.constant 8388607 : i32
    %and3A_227 = vector.broadcast %and3A_226 : i32 to vector<16xi32>
    %and3A_228 = arith.andi %bitcast_convert_type3A_219, %and3A_227 : vector<16xi32>
    %or3A_229 = arith.constant 1065353216 : i32
    %or3A_230 = vector.broadcast %or3A_229 : i32 to vector<16xi32>
    %or3A_231 = arith.ori %and3A_228, %or3A_230 : vector<16xi32>
    %bitcast_convert_type3A_232 = tpu.bitcast %or3A_231 : vector<16xi32> -> vector<16xf32>
    %sub3A_233 = arith.constant 1.000000e+00 : f32
    %sub3A_234 = vector.broadcast %sub3A_233 : f32 to vector<16xf32>
    %sub3A_235 = arith.subf %bitcast_convert_type3A_232, %sub3A_234 : vector<16xf32>
    %add3A_236 = arith.constant 1.000000e+00 : f32
    %add3A_237 = vector.broadcast %add3A_236 : f32 to vector<16xf32>
    %add3A_238 = arith.addf %bitcast_convert_type3A_232, %add3A_237 : vector<16xf32>
    %div3A_239 = arith.divf %sub3A_235, %add3A_238 : vector<16xf32>
    %mul3A_240 = arith.mulf %div3A_239, %div3A_239 : vector<16xf32>
    %mul3A_241 = arith.constant 2.000000e+00 : f32
    %mul3A_242 = vector.broadcast %mul3A_241 : f32 to vector<16xf32>
    %mul3A_243 = arith.mulf %mul3A_242, %div3A_239 : vector<16xf32>
    %mul3A_244 = arith.constant 0.142857149 : f32
    %mul3A_245 = vector.broadcast %mul3A_244 : f32 to vector<16xf32>
    %mul3A_246 = arith.mulf %mul3A_240, %mul3A_245 : vector<16xf32>
    %add3A_247 = arith.constant 2.000000e-01 : f32
    %add3A_248 = vector.broadcast %add3A_247 : f32 to vector<16xf32>
    %add3A_249 = arith.addf %add3A_248, %mul3A_246 : vector<16xf32>
    %mul3A_250 = arith.mulf %mul3A_240, %add3A_249 : vector<16xf32>
    %add3A_251 = arith.constant 0.333333343 : f32
    %add3A_252 = vector.broadcast %add3A_251 : f32 to vector<16xf32>
    %add3A_253 = arith.addf %add3A_252, %mul3A_250 : vector<16xf32>
    %mul3A_254 = arith.mulf %mul3A_240, %add3A_253 : vector<16xf32>
    %add3A_255 = arith.constant 1.000000e+00 : f32
    %add3A_256 = vector.broadcast %add3A_255 : f32 to vector<16xf32>
    %add3A_257 = arith.addf %add3A_256, %mul3A_254 : vector<16xf32>
    %mul3A_258 = arith.mulf %mul3A_243, %add3A_257 : vector<16xf32>
    %convert_element_type3A_259 = arith.sitofp %sub3A_225 : vector<16xi32> to vector<16xf32>
    %mul3A_260 = arith.constant 0.693147182 : f32
    %mul3A_261 = vector.broadcast %mul3A_260 : f32 to vector<16xf32>
    %mul3A_262 = arith.mulf %convert_element_type3A_259, %mul3A_261 : vector<16xf32>
    %add3A_263 = arith.addf %mul3A_262, %mul3A_258 : vector<16xf32>
    %neg3A_264 = arith.constant 0.000000e+00 : f32
    %neg3A_265 = vector.broadcast %neg3A_264 : f32 to vector<16xf32>
    %neg3A_266 = arith.subf %neg3A_265, %add3A_263 : vector<16xf32>
    tpu.vector_store_idx %arg9[%add3A_215], %neg3A_266 : memref<4256xf32, #tpu.memory_space<vmem>>[vector<16xi32>], vector<16xf32>,
    %add3A_267 = arith.constant 3 : i32
    %add3A_268 = vector.broadcast %add3A_267 : i32 to vector<16xi32>
    %add3A_269 = arith.addi %mul3A_45, %add3A_268 : vector<16xi32>
    %add3A_270 = arith.constant 9.99999971E-10 : f32
    %add3A_271 = vector.broadcast %add3A_270 : f32 to vector<16xf32>
    %add3A_272 = arith.addf %convert_element_type3A_161, %add3A_271 : vector<16xf32>
    %div3A_273 = arith.divf %parallel_loop3A_49#5, %add3A_272 : vector<16xf32>
    tpu.vector_store_idx %arg9[%add3A_269], %div3A_273 : memref<4256xf32, #tpu.memory_space<vmem>>[vector<16xi32>], vector<16xf32>,
    %add3A_274 = arith.constant 4 : i32
    %add3A_275 = vector.broadcast %add3A_274 : i32 to vector<16xi32>
    %add3A_276 = arith.addi %mul3A_45, %add3A_275 : vector<16xi32>
    tpu.vector_store_idx %arg9[%add3A_276], %broadcast_in_dim3A_21 : memref<4256xf32, #tpu.memory_space<vmem>>[vector<16xi32>], vector<16xf32>,
    %parallel_loop3A_277 = arith.constant 0 : i32
    %parallel_loop3A_278 = arith.constant 127 : i32
    %parallel_loop3A_279 = arith.constant 1 : i32
    %parallel_loop3A_280:2 = scf.for %parallel_loop3A_289 = %parallel_loop3A_277 to %parallel_loop3A_278 step %parallel_loop3A_279 iter_args(%parallel_loop3A_290 = %broadcast_in_dim3A_21, %parallel_loop3A_291 = %broadcast_in_dim3A_21) -> (vector<16xf32>, vector<16xf32>)  : i32 {
      %parallel_loop3A_292 = arith.constant 5 : i32
      %parallel_loop3A_293 = vector.broadcast %parallel_loop3A_292 : i32 to vector<16xi32>
      %parallel_loop3A_294 = arith.addi %mul3A_39, %parallel_loop3A_293 : vector<16xi32>
      %parallel_loop3A_295 = vector.broadcast %parallel_loop3A_289 : i32 to vector<16xi32>
      %parallel_loop3A_296 = arith.addi %parallel_loop3A_294, %parallel_loop3A_295 : vector<16xi32>
      %parallel_loop3A_297 = tpu.vector_load_idx %arg9[%parallel_loop3A_296] : memref<4256xf32, #tpu.memory_space<vmem>>[vector<16xi32>], vector<16xf32>,
      %parallel_loop3A_298 = arith.constant 0.000000e+00 : f32
      %parallel_loop3A_299 = vector.broadcast %parallel_loop3A_298 : f32 to vector<16xf32>
      %parallel_loop3A_300 = arith.cmpf ogt, %parallel_loop3A_297, %parallel_loop3A_299 : vector<16xf32>
      %parallel_loop3A_301 = arith.constant 1.000000e+00 : f32
      %parallel_loop3A_302 = arith.constant 0.000000e+00 : f32
      %parallel_loop3A_303 = vector.broadcast %parallel_loop3A_301 : f32 to vector<16xf32>
      %parallel_loop3A_304 = vector.broadcast %parallel_loop3A_302 : f32 to vector<16xf32>
      %parallel_loop3A_305 = arith.select %parallel_loop3A_300, %parallel_loop3A_303, %parallel_loop3A_304 : vector<16xi1>, vector<16xf32>
      %parallel_loop3A_306 = arith.addf %parallel_loop3A_290, %parallel_loop3A_305 : vector<16xf32>
      %parallel_loop3A_307 = arith.constant 5 : i32
      %parallel_loop3A_308 = vector.broadcast %parallel_loop3A_307 : i32 to vector<16xi32>
      %parallel_loop3A_309 = arith.addi %mul3A_45, %parallel_loop3A_308 : vector<16xi32>
      %parallel_loop3A_310 = vector.broadcast %parallel_loop3A_289 : i32 to vector<16xi32>
      %parallel_loop3A_311 = arith.addi %parallel_loop3A_309, %parallel_loop3A_310 : vector<16xi32>
      %parallel_loop3A_312 = tpu.vector_load_idx %arg9[%parallel_loop3A_311] : memref<4256xf32, #tpu.memory_space<vmem>>[vector<16xi32>], vector<16xf32>,
      %parallel_loop3A_313 = arith.constant 0.000000e+00 : f32
      %parallel_loop3A_314 = vector.broadcast %parallel_loop3A_313 : f32 to vector<16xf32>
      %parallel_loop3A_315 = arith.cmpf ogt, %parallel_loop3A_312, %parallel_loop3A_314 : vector<16xf32>
      %parallel_loop3A_316 = arith.constant 1.000000e+00 : f32
      %parallel_loop3A_317 = arith.constant 0.000000e+00 : f32
      %parallel_loop3A_318 = vector.broadcast %parallel_loop3A_316 : f32 to vector<16xf32>
      %parallel_loop3A_319 = vector.broadcast %parallel_loop3A_317 : f32 to vector<16xf32>
      %parallel_loop3A_320 = arith.select %parallel_loop3A_315, %parallel_loop3A_318, %parallel_loop3A_319 : vector<16xi1>, vector<16xf32>
      %parallel_loop3A_321 = arith.addf %parallel_loop3A_291, %parallel_loop3A_320 : vector<16xf32>
      scf.yield %parallel_loop3A_306, %parallel_loop3A_321 : vector<16xf32>, vector<16xf32>
    } {sc.loop_unroll_factor = 8 : i64, sc.parallel_access}
    %add3A_281 = arith.constant 132 : i32
    %add3A_282 = vector.broadcast %add3A_281 : i32 to vector<16xi32>
    %add3A_283 = arith.addi %mul3A_39, %add3A_282 : vector<16xi32>
    tpu.vector_store_idx %arg9[%add3A_283], %parallel_loop3A_280#0 : memref<4256xf32, #tpu.memory_space<vmem>>[vector<16xi32>], vector<16xf32>,
    %add3A_284 = arith.constant 132 : i32
    %add3A_285 = vector.broadcast %add3A_284 : i32 to vector<16xi32>
    %add3A_286 = arith.addi %mul3A_45, %add3A_285 : vector<16xi32>
    tpu.vector_store_idx %arg9[%add3A_286], %parallel_loop3A_280#1 : memref<4256xf32, #tpu.memory_space<vmem>>[vector<16xi32>], vector<16xf32>,
    %mul3A_287 = arith.constant 4256 : i32
    %mul3A_288 = arith.muli %add3A, %mul3A_287 : i32
    "tpu.region"() ({
      %run_scoped3A = tpu.sem_alloc : memref<!tpu.dma_semaphore, #tpu.memory_space<semaphore_mem>>
      %dma_start3A_289 = tpu.memref_slice %arg5[%mul3A_288] : memref<136192xf32, #tpu.memory_space<hbm>> -> memref<4256xf32, #tpu.memory_space<hbm>>
      %dma_start3A_290 = tpu.memref_slice %arg5[%mul3A_288] : memref<136192xf32, #tpu.memory_space<hbm>> -> memref<4256xf32, #tpu.memory_space<hbm>>
      tpu.enqueue_dma source(%arg9 : memref<4256xf32, #tpu.memory_space<vmem>>) target(%dma_start3A_290 : memref<4256xf32, #tpu.memory_space<hbm>>) target_semaphore(%run_scoped3A : memref<!tpu.dma_semaphore, #tpu.memory_space<semaphore_mem>>)
      %dma_wait3A_291 = tpu.memref_slice %arg5[%mul3A_288] : memref<136192xf32, #tpu.memory_space<hbm>> -> memref<4256xf32, #tpu.memory_space<hbm>>
      %dma_wait3A_292 = tpu.memref_slice %arg5[%mul3A_288] : memref<136192xf32, #tpu.memory_space<hbm>> -> memref<4256xf32, #tpu.memory_space<hbm>>
      tpu.wait_dma2 semaphore(%run_scoped3A : memref<!tpu.dma_semaphore, #tpu.memory_space<semaphore_mem>>) src(%arg9 : memref<4256xf32, #tpu.memory_space<vmem>>) dst(%dma_wait3A_292 : memref<4256xf32, #tpu.memory_space<hbm>>)
      tpu.yield
    }) : () -> ()
    return
  }
}

</mosaic_0001>

<sc_bundles>
// kernel: kernel.3.cloned.1.call-start
scs
__scs_entry_jumppad:
0x0: {  	(pc) =	sbr.rel $0x88, $3  }
0x1: {  	(tag) =	ssettag $0x0;
	lr =	simm.s32 $0x1  }
0x2: {  	[smem:$0x3F9E] =	sst lr;
	_ =	strace $0xD0000000  }
0x3: {  	_ = 	snop  }
0x4: {  	_ = 	snop  }
0x5: {  	_ = 	snop  }
0x6: {  	_ = 	snop  }
0x7: {  	_ = 	snop  }
__scs_overlays_trampoline_lowered:
0x8: {  	[smem:$0x3FAD] =	sst s0  }
0x9: {  	[smem:$0x3FAE] =	sst s1  }
0xa: {  	[smem:$0x3FAF] =	sst s2  }
0xb: {  	[smem:$0x3FB0] =	sst s3  }
0xc: {  	[smem:$0x3FB1] =	sst s4  }
0xd: {  	[smem:$0x3FB2] =	sst s5  }
0xe: {  	[smem:$0x3FB3] =	sst s6  }
0xf: {  	[smem:$0x3FB4] =	sst s7  }
0x10: {  	[smem:$0x3FB5] =	sst s8  }
0x11: {  	[smem:$0x3FB6] =	sst s9;
	s0 =	simm.s32 @!p0 $0x0  }
0x12: {  	s1 =	sld [smem:$0x3F9C];
	s0 =	simm.s32 @p0 $0x1  }
0x13: {  	[smem:$0x3FB7] =	sst s0;
	s0 =	simm.s32 @!p1 $0x0  }
0x14: {  	s2 =	sld [smem:$0x3F9B];
	s0 =	simm.s32 @p1 $0x1  }
0x15: {  	[smem:$0x3FB8] =	sst s0;
	s0 =	simm.s32 @!p2 $0x0  }
0x16: {  	s3 =	sld [smem:$0x3FDB];
	s0 =	simm.s32 @p2 $0x1  }
0x17: {  	s4 =	simm.s32 $0x1BF5;
	[smem:$0x3FBA] =	sst s0  }
0x18: {  	s0 =	sld [smem:$0x3F9D];
	_ =	swait.ge [sflag:s4], $0x0  }
0x19: {  	s7 =	sld [smem:$0x3F9E]  }
0x1a: {  	s8 =	sadd.s32 $0xFFFFE003, lr  }
0x1b: {  	s9 =	sadd.s32 $0xFFFFFEF7, lr;
	s5 =	simm.s32 $0xFFFFFFFF;
	p2 =	slt.u32 s8, $0xFFFFF086  }
0x1c: {  	p1 =	slt.u32 s9, $0xF7A;
	s5 =	simm.s32 @!p2 $0x0  }
0x1d: {  	s5 =	simm.s32 @p1 $0x1;
	p0 =	seq.s32 s7, s2  }
0x1e: {  	s7 =	smul.u32 @!p0 $0xF7A, s2;
	p2 =	seq.s32 @!p0 s5, $0x0  }
0x1f: {  	s9 =	smul.u32 $0xF7A, s1;
	s8 =	simm.s32 @!p0 $0x1BF5;
	p2 =	por !p2, p0  }
0x20: {  	[sflag:s8] =	ssyncset.s32 @!p0 $0xFFFFF086;
	s6 =	sadd.s32 @!p0 s3, s7;
	s7 =	simm.s32 @!p0 $0x108  }
0x21: {  	s3 =	sadd.s32 s3, s9;
	s6 =	sadd.s32 @!p0 $0x88, s6;
	s7 =	simm.s32 @p2 $0x1082  }
0x22: {  	[simem:s7], [sflag:s8] =	dma.local @!p0 [hbm:s6], $0xF7A  }
0x23: {  	s9 =	sor.u32 $0xD0000000, s2;
	s6 =	simm.s32 $0x108;
	_ =	swait.ge @!p0 [sflag:s8], $0x0  }
0x24: {  	s3 =	sadd.s32 $0x88, s3;
	s6 =	simm.s32 @!p1 $0x1082;
	[sflag:s4] =	ssyncset.s32 $0xFFFFF086  }
0x25: {  	[simem:s6], [sflag:s4] =	dma.local [hbm:s3], $0xF7A  }
0x26: {  	[smem:$0x3F9E] =	sst s1;
	(tag) =	ssettag s2;
	_ =	strace s9  }
0x27: {  	s1 =	sld [smem:$0x3FAE]  }
0x28: {  	s2 =	sld [smem:$0x3FAF]  }
0x29: {  	s4 =	sld [smem:$0x3FB1]  }
0x2a: {  	p0 =	seq.s32 s5, $0x0;
	s5 =	sld [smem:$0x3FB2]  }
0x2b: {  	s6 =	sld [smem:$0x3FB3]  }
0x2c: {  	s7 =	sld [smem:$0x3FB4]  }
0x2d: {  	s3 =	simm.s32 $0x108;
	s8 =	sld [smem:$0x3FB5]  }
0x2e: {  	s3 =	simm.s32 @!p0 $0x1082;
	s9 =	sld [smem:$0x3FB6]  }
0x2f: {  	lr =	sadd.s32 s0, s3;
	s0 =	sld [smem:$0x3FAD]  }
0x30: {  	s3 =	sld [smem:$0x3FB0]  }
0x31: {  	[smem:$0x3FB9] =	sst s10  }
0x32: {  	s10 =	sld [smem:$0x3FB7];
	_ =	sdelay $0x3  }
0x33: {  	p0 =	seq.s32 s10, $0x1;
	s10 =	sld [smem:$0x3FB9];
	_ =	sdelay $0x3  }
0x34: {  	[smem:$0x3FB9] =	sst s10  }
0x35: {  	s10 =	sld [smem:$0x3FB8];
	_ =	sdelay $0x3  }
0x36: {  	p1 =	seq.s32 s10, $0x1;
	s10 =	sld [smem:$0x3FB9];
	_ =	sdelay $0x3  }
0x37: {  	[smem:$0x3FB9] =	sst s10  }
0x38: {  	s10 =	sld [smem:$0x3FBA]  }
0x39: {  	_ = 	snop;
	(pc) =	sbr.ind lr, $3  }
0x3a: {  	_ = 	snop  }
0x3b: {  	_ = 	snop  }
0x3c: {  	p2 =	seq.s32 s10, $0x1;
	s10 =	sld [smem:$0x3FB9]  }
0x3d: {  	_ =	shalt  }
0x3e: {  	_ =	shalt  }
0x3f: {  	_ =	shalt  }
0x40: {  	_ =	shalt  }
0x41: {  	_ =	shalt  }
0x42: {  	_ =	shalt  }
0x43: {  	_ =	shalt  }
0x44: {  	_ =	shalt  }
0x45: {  	_ =	shalt  }
0x46: {  	_ =	shalt  }
0x47: {  	_ =	shalt  }
0x48: {  	_ =	shalt  }
0x49: {  	_ =	shalt  }
0x4a: {  	_ =	shalt  }
0x4b: {  	_ =	shalt  }
0x4c: {  	_ =	shalt  }
0x4d: {  	_ =	shalt  }
0x4e: {  	_ =	shalt  }
0x4f: {  	_ =	shalt  }
0x50: {  	_ =	shalt  }
0x51: {  	_ =	shalt  }
0x52: {  	_ =	shalt  }
0x53: {  	_ =	shalt  }
0x54: {  	_ =	shalt  }
0x55: {  	_ =	shalt  }
0x56: {  	_ =	shalt  }
0x57: {  	_ =	shalt  }
0x58: {  	_ =	shalt  }
0x59: {  	_ =	shalt  }
0x5a: {  	_ =	shalt  }
0x5b: {  	_ =	shalt  }
0x5c: {  	_ =	shalt  }
0x5d: {  	_ =	shalt  }
0x5e: {  	_ =	shalt  }
0x5f: {  	_ =	shalt  }
0x60: {  	_ =	shalt  }
0x61: {  	_ =	shalt  }
0x62: {  	_ =	shalt  }
0x63: {  	_ =	shalt  }
0x64: {  	_ =	shalt  }
0x65: {  	_ =	shalt  }
0x66: {  	_ =	shalt  }
0x67: {  	_ =	shalt  }
0x68: {  	_ =	shalt  }
0x69: {  	_ =	shalt  }
0x6a: {  	_ =	shalt  }
0x6b: {  	_ =	shalt  }
0x6c: {  	_ =	shalt  }
0x6d: {  	_ =	shalt  }
0x6e: {  	_ =	shalt  }
0x6f: {  	_ =	shalt  }
0x70: {  	_ =	shalt  }
0x71: {  	_ =	shalt  }
0x72: {  	_ =	shalt  }
0x73: {  	_ =	shalt  }
0x74: {  	_ =	shalt  }
0x75: {  	_ =	shalt  }
0x76: {  	_ =	shalt  }
0x77: {  	_ =	shalt  }
0x78: {  	_ =	shalt  }
0x79: {  	_ =	shalt  }
0x7a: {  	_ =	shalt  }
0x7b: {  	_ =	shalt  }
0x7c: {  	_ =	shalt  }
0x7d: {  	_ =	shalt  }
0x7e: {  	_ =	shalt  }
0x7f: {  	_ =	shalt  }
0x80: {  	_ =	shalt  }
0x81: {  	_ =	shalt  }
0x82: {  	_ =	shalt  }
0x83: {  	_ =	shalt  }
0x84: {  	_ =	shalt  }
0x85: {  	_ =	shalt  }
0x86: {  	_ =	shalt  }
0x87: {  	_ =	shalt  }
.Lfunc_end0:
.L_simem_size_0:
called_computation_lowered:
.L_overlay_start_0:
0x88: {  	s2 =	sld [smem:$0x3FD9]  }
0x89: {  	s3 =	sld [smem:$0x3FFE];
	_ =	sdelay $0x1  }
0x8a: {  	s1 =	srdreg.scid  }
0x8b: {  	s0 =	sand.u32 $0x1, s1  }
0x8c: {  	s17 =	sshll.u32 s0, $0xA;
	s2 =	sadd.s32 s3, s2  }
0x8d: {  	s2 =	sadd.s32 s2, s17  }
0x8e: {  	[smem:$0x3FC5] =	sst s2  }
0x8f: {  	_ = 	snop  }
0x90: {  	s2 =	sld [smem:$0x3FC7]  }
0x91: {  	s18 =	sld [smem:$0x3FD0];
	(tm) =	ssettm $0x1  }
0x92: {  	s4 =	sld [smem:$0x3FFB];
	_ =	sdelay $0x3  }
0x93: {  	_ =	strace s4  }
0x94: {  	s4 =	sld [smem:$0x3FFC];
	_ =	sdelay $0x3  }
0x95: {  	_ =	strace s4  }
0x96: {  	s4 =	sld [smem:$0x3FFD];
	_ =	sdelay $0x3  }
0x97: {  	_ =	strace s4  }
0x98: {  	_ =	strace $0x8FFFFFFF  }
0x99: {  	s19 =	sld [smem:$0x3FDB];
	_ =	sdelay $0x1  }
0x9a: {  	s5 =	simm.s32 $_scs_section_size  }
0x9b: {  	s6 =	simm.s32 $_size__tile_overlayer_lowered;
	s7 =	simm.s32 $_tile_overlayer_lowered  }
0x9c: {  	s22 =	simm.s32 $0x1BFF;
	s21 =	sshll.u32 s7, $0x1;
	s4 =	sadd.s32 s5, s19  }
0x9d: {  	s8 =	simm.s32 $0x0;
	s20 =	sshll.u32 s6, $0x1;
	s6 =	sadd.s32 s21, s4  }
0x9e: {  	[timem:s8], [sflag:s22] =	dma.local [hbm:s6], s20  }
0x9f: {  	_ =	swait.ge [sflag:s22], s20  }
0xa0: {  	s5 =	ssub.s32 $0x0, s20;
	[sflag:s22] =	ssyncset.done $0x0  }
0xa1: {  	[sflag:s22] =	ssyncadd.s32 s5;
	_ =	sdelay $0x1  }
0xa2: {  	s23 =	simm.s32 $0x1B8B  }
0xa3: {  	_ =	swait.ge [sflag:s23], $0x1  }
0xa4: {  	[sflag:s23] =	ssyncset.done $0x0  }
0xa5: {  	s25 =	simm.s32 $0x1B8E;
	s24 =	sld [smem:$0x3FFE];
	[sflag:s23] =	ssyncadd.s32 $0xFFFFFFFF  }
0xa6: {  	s26 =	simm.s32 $execute0_lowered;
	[smem:$0x3FD2] =	sst s25  }
0xa7: {  	s6 =	sshll.u32 s26, $0x1;
	_ =	strace $0x80000046;
	[dreg:$0x1] =	wrdreg $0xFFFFFFFF  }
0xa8: {  	s28 =	simm.s32 $_size_execute0_lowered;
	s4 =	sadd.s32 s4, s6;
	[dreg:$0x0] =	wrdreg $0x0  }
0xa9: {  	s6 =	sshll.u32 s28, $0x1;
	[dreg:$0x2] =	wrdreg s4  }
0xaa: {  	[dreg:$0x3] =	wrdreg s6  }
0xab: {  	[dreg:$0x4] =	wrdreg $0xC0  }
0xac: {  	_ =	task [dreg:s8], $0x5FFFF  }
0xad: {  	[dreg:$0x1] =	wrdreg $0xFFFFFFFF  }
0xae: {  	[dreg:$0x0] =	wrdreg $0x60  }
0xaf: {  	[dreg:$0x2] =	wrdreg s24  }
0xb0: {  	[dreg:$0x3] =	wrdreg s2  }
0xb1: {  	[dreg:$0x4] =	wrdreg s18  }
0xb2: {  	[dreg:$0x5] =	wrdreg $0x9  }
0xb3: {  	_ =	task.clear_ibuf [dreg:s8], $0x6FFFF;
	_ =	strace $0x90000046  }
0xb4: {  	s29 =	simm.s32 $0x9;
	_ =	strace $0x80000048  }
0xb5: {  	_ =	swait.ge [sflag:s29], $0x1  }
0xb6: {  	[sflag:s29] =	ssyncadd.s32 $0xFFFFFFFF  }
0xb7: {  	_ =	strace $0x90000048  }
0xb8: {  	_ =	sfence  }
0xb9: {  	s30 =	sld [smem:$0x0];
	_ =	sdelay $0x2  }
0xba: {  	s31 =	sshll.u32 s1, $0xD;
	s1 =	sshrl.u32 s1, $0x2  }
0xbb: {  	s3 =	sand.u32 $0x4000, s31;
	s1 =	sadd.s32 s1, s30  }
0xbc: {  	s0 =	sor.u32 s3, s0;
	s1 =	sshll.u32 s1, $0x11  }
0xbd: {  	s0 =	sor.u32 s1, s0  }
0xbe: {  	s0 =	sadd.s32 $0x8F2B, s0  }
0xbf: {  	[sflag:s0] =	ssyncadd.remote.s32 $0x1  }
0xc0: {  	_ =	sfence.sel $0xFFFF  }
0xc1: {  	[dreg:$0x0] =	wrdreg $0xFFFFFFFF;
	(pc) =	sbr.abs _section_cstart, $3  }
0xc2: {  	[dreg:$0x1] =	wrdreg $0xFFFFFFFF  }
0xc3: {  	_ =	task.clear_ibuf [dreg:s8], $0x2FFFF;
	_ =	strace $0x9FFFFFFF  }
0xc4: {  	(tm) =	ssettm $0x7FFFFFFF  }
0xc5: {  	_ =	shalt  }
tec
execute0_lowered:
.L_overlay_start_1:
0x0: {  	(tag) =	ssettag $0x1  }
0x1: {  	s3 =	rddreg [dreg:$0x0]  }
0x2: {  	s5 =	rddreg [dreg:$0x1];
	s1 =	srdreg.scid  }
0x3: {  	s0 =	stileid.u32;
	s6 =	rddreg [dreg:$0x2]  }
0x4: {  	s2 =	simm.s32 $0x0;
	s11 =	simm.s32 $0x2;
	s12 =	simm.s32 $0x3  }
0x5: {  	v1 =	vlaneseq.u32;
	s13 =	simm.s32 $0x3280;
	s4 =	sand.u32 $0x1, s1;
	s7 =	sshll.u32 s0, $0x1  }
0x6: {  	s14 =	simm.s32 $0x4;
	s15 =	simm.s32 $0x0;
	v0 =	vmul.u32 $0xC8, v1;
	v1 =	vmul.u32 $0x85, v1;
	s7 =	sor.u32 s4, s7  }
0x7: {  	v2 =	vimm.f32 $0.0e+00;
	s1 =	rddreg [dreg:$0x3];
	s4 =	ssub.s32 $0x2, s4;
	s8 =	smul.u32 $0x320, s7  }
0x8: {  	v4 =	vimm.f32 $1.000000000e+00;
	[smem:$0x7FF] =	sst s2;
	s31 =	sshrl.u32 s4, $0x1;
	s9 =	smul.u32 $0x214, s7;
	v3 =	vadd.s32 $0x4, v1;
	v5 =	vadd.s32 $0xC80, v0  }
0x9: {  	_ =	strace $0x80000047;
	s7 =	sshll.u32 s7, $0x2;
	v6 =	vadd.s32 $0x854, v1;
	v7 =	vadd.s32 $0x1, v1;
	v8 =	vadd.s32 $0x2, v1;
	s10 =	ssub.s32 s4, s31  }
0xa: {  	v9 =	vadd.s32 $0x3, v1;
	v10 =	vadd.s32 $0x850, v1;
	v11 =	vadd.s32 $0x851, v1;
	s5 =	sadd.s32 s5, s7;
	s8 =	sadd.s32 s8, s3;
	s6 =	sadd.s32 s6, s9  }
0xb: {  	v12 =	vadd.s32 $0x852, v1;
	v13 =	vadd.s32 $0x853, v1;
	v14 =	vadd.s32 $0x5, v1;
	s7 =	smax.u32 s10, $0x1;
	s9 =	simm.s32 $0x3200;
	s10 =	simm.s32 $0x1  }
0xc: {  	v15 =	vadd.s32 $0x855, v1;
	v16 =	vadd.s32 $0x84, v1;
	v17 =	vadd.s32 $0x8D4, v1;
	s3 =	sadd.s32 $0x600, s8;
	s4 =	sadd.s32 $0x6A00, s8;
	s8 =	simm.s32 $0x1900  }
.LBB2_1:
0xd: {  	[tilespmem:s2], [sflag:$0x1] =	stream.linear.gather [hbm4b:s3+s2], $0x1900, $0x38;
	[tilespmem:$0x4380] =	vst v63  }
0xe: {  	_ = 	snop  }
0xf: {  	[tilespmem:s8], [sflag:$0x2] =	stream.linear.gather [hbm4b:s4+s2], $0x1900, $0x38;
	[tilespmem:$0x4380] =	vst v63  }
0x10: {  	s16 =	simm.s32 $0x32C0  }
0x11: {  	[tilespmem:s9], [sflag:$0x3] =	stream.linear.gather [hbm4b:s5+s2], $0x20, $0x38;
	[tilespmem:$0x4380] =	vst v63  }
0x12: {  	[tilespmem:s16+$0xFFFFFFC0] =	vst v2  }
0x13: {  	[tilespmem:s16+$0x30] =	vst v2  }
0x14: {  	[tilespmem:s16+$0x20] =	vst v2  }
0x15: {  	[tilespmem:s16+$0x10] =	vst v2  }
0x16: {  	[tilespmem:s16+$0x0] =	vst v2  }
0x17: {  	[tilespmem:s16+$0xFFFFFFF0] =	vst v2  }
0x18: {  	s17 =	simm.s32 $0x0;
	[tilespmem:s16+$0xFFFFFFE0] =	vst v2  }
.LBB2_2:
0x19: {  	s17 =	sadd.s32 $0x8, s17;
	[tilespmem:s16+$0xFFFFFFD0] =	vst v2;
	s16 =	sadd.s32 $0x80, s16  }
0x1a: {  	[tilespmem:s16+$0xFFFFFFC0] =	vst v2;
	p0 =	slt.u32 s17, $0x100  }
0x1b: {  	[tilespmem:s16+$0x30] =	vst v2  }
.Ltmp0:
0x1c: {  	[tilespmem:s16+$0x20] =	vst v2;
	(pc) =	sbr.rel @p0 .LBB2_2-.Ltmp0, $4  }
0x1d: {  	[tilespmem:s16+$0x10] =	vst v2  }
0x1e: {  	[tilespmem:s16+$0x0] =	vst v2  }
0x1f: {  	[tilespmem:s16+$0xFFFFFFF0] =	vst v2  }
0x20: {  	[tilespmem:s16+$0xFFFFFFE0] =	vst v2  }
0x21: {  	[tilespmem:s16+$0xFFFFFFD0] =	vst v2;
	s16 =	simm.s32 $0x0  }
.LBB2_4:
0x22: {  	p0 =	sne.s32 s16, $0x40  }
.Ltmp1:
0x23: {  	_ = 	snop;
	(pc) =	sbr.rel @p0 .LBB2_4-.Ltmp1, $3  }
0x24: {  	_ =	sdelay $0x1  }
0x25: {  	s17 =	sshra.s32 s16, $0x2  }
0x26: {  	s16 =	sadd.s32 $0x40, s16;
	[tilespmem:s17+$0x4300] =	vst v2  }
0x27: {  	_ =	swait.ge [sflag:s10], $0x1900  }
0x28: {  	[sflag:s10] =	ssyncset.done $0x0  }
0x29: {  	[sflag:s10] =	ssyncadd.s32 $0xFFFFE700  }
0x2a: {  	s16 =	simm.s32 $0x0;
	_ =	swait.ge [sflag:s11], $0x1900  }
0x2b: {  	s17 =	simm.s32 $0x1;
	v18 =	vadd.s32 s16, v0;
	[sflag:s11] =	ssyncset.done $0x0  }
0x2c: {  	s18 =	simm.s32 $0x2;
	v19 =	vadd.s32 s17, v0;
	[sflag:s11] =	ssyncadd.s32 $0xFFFFE700  }
0x2d: {  	v20 =	vadd.s32 s18, v0;
	_ =	swait.ge [sflag:s12], $0x20  }
0x2e: {  	s19 =	simm.s32 $0x3;
	[sflag:s12] =	ssyncset.done $0x0  }
0x2f: {  	v22 =	vadd.s32 s19, v0;
	[sflag:s12] =	ssyncadd.s32 $0xFFFFFFE0  }
0x30: {  	v21 =	vld.idx.msk [tilespmem:v18+s8+$0x0], $0xffff  }
0x31: {  	v23 =	vld.idx.msk [tilespmem:v19+s8+$0x0], $0xffff  }
0x32: {  	s29 =	simm.s32 $0x5;
	v24 =	vld.idx.msk [tilespmem:v20+s8+$0x0], $0xffff  }
0x33: {  	s31 =	simm.s32 $0x7;
	v36 =	vadd.s32 s29, v0;
	v18 =	vld.idx.msk [tilespmem:v18+s2+$0x0], $0xffff  }
0x34: {  	v55 =	vadd.s32 s31, v0;
	v25 =	vld.idx.msk [tilespmem:v22+s8+$0x0], $0xffff  }
0x35: {  	v19 =	vld.idx.msk [tilespmem:v19+s2+$0x0], $0xffff;
	v21 =	vadd.s32 v3, v21  }
0x36: {  	v20 =	vld.idx.msk [tilespmem:v20+s2+$0x0], $0xffff;
	v23 =	vadd.s32 v3, v23  }
0x37: {  	v22 =	vld.idx.msk [tilespmem:v22+s2+$0x0], $0xffff;
	v24 =	vadd.s32 v3, v24  }
0x38: {  	v26 =	vadd.s32 s16, v5;
	v57 =	vld.idx.msk [tilespmem:v36+s8+$0x0], $0xffff  }
0x39: {  	v27 =	vadd.s32 s17, v5;
	v58 =	vld.idx.msk [tilespmem:v55+s8+$0x0], $0xffff  }
0x3a: {  	v28 =	vimm.f32 $0.0e+00;
	s30 =	simm.s32 $0x6;
	[tilespmem:v21+s13+$0x0] =	vst.idx.add.f32.msk $0xffff, v4  }
0x3b: {  	v42 =	vadd.s32 s29, v5;
	v43 =	vadd.s32 s30, v5;
	v25 =	vadd.s32 v3, v25;
	[tilespmem:v23+s13+$0x0] =	vst.idx.add.f32.msk $0xffff, v4  }
0x3c: {  	v29 =	vmax.f32 v18, $0.0e+00;
	v30 =	vmin.f32 v18, $0.0e+00;
	v32 =	vmax.f32 v19, $0.0e+00;
	[tilespmem:v24+s13+$0x0] =	vst.idx.add.f32.msk $0xffff, v4  }
0x3d: {  	v33 =	vmin.f32 v19, $0.0e+00;
	v18 =	vadd.f32 v18, v28;
	v21 =	vadd.s32 s18, v5;
	v31 =	vld.idx.msk [tilespmem:v26+s2+$0x0], $0xffff  }
0x3e: {  	s28 =	simm.s32 $0x4;
	v29 =	vadd.f32 v29, v28;
	v30 =	vadd.f32 v30, v28;
	v23 =	vadd.s32 s19, v5;
	v34 =	vld.idx.msk [tilespmem:v27+s2+$0x0], $0xffff  }
0x3f: {  	v49 =	vmax.f32 v20, $0.0e+00;
	v18 =	vadd.f32 v19, v18;
	v24 =	vadd.s32 s28, v0;
	v27 =	vld.idx.msk [tilespmem:v27+s8+$0x0], $0xffff  }
0x40: {  	v50 =	vmin.f32 v20, $0.0e+00;
	v29 =	vadd.f32 v32, v29;
	v30 =	vadd.f32 v33, v30;
	[tilespmem:v25+s13+$0x0] =	vst.idx.add.f32.msk $0xffff, v4  }
0x41: {  	v51 =	vmax.f32 v22, $0.0e+00;
	v52 =	vmin.f32 v22, $0.0e+00;
	v18 =	vadd.f32 v20, v18;
	v56 =	vld.idx.msk [tilespmem:v26+s8+$0x0], $0xffff  }
0x42: {  	v61 =	vadd.s32 v3, v58;
	v29 =	vadd.f32 v49, v29;
	v30 =	vadd.f32 v50, v30;
	v35 =	vld.idx.msk [tilespmem:v21+s2+$0x0], $0xffff  }
0x43: {  	v25 =	vadd.s32 s30, v0;
	v22 =	vadd.f32 v22, v18;
	v37 =	vld.idx.msk [tilespmem:v23+s2+$0x0], $0xffff;
	v38 =	vmax.f32 v31, $0.0e+00  }
0x44: {  	v39 =	vld.idx.msk [tilespmem:v24+s8+$0x0], $0xffff;
	v54 =	vmin.f32 v31, $0.0e+00;
	v27 =	vadd.s32 v6, v27;
	v53 =	vadd.f32 v38, v28  }
0x45: {  	s18 =	simm.s32 $0xA;
	v21 =	vld.idx.msk [tilespmem:v21+s8+$0x0], $0xffff;
	v33 =	vadd.f32 v54, v28;
	v28 =	vadd.f32 v31, v28;
	v31 =	vmax.f32 v34, $0.0e+00  }
0x46: {  	v32 =	vadd.s32 s18, v0;
	v23 =	vld.idx.msk [tilespmem:v23+s8+$0x0], $0xffff;
	v19 =	vmin.f32 v34, $0.0e+00;
	v31 =	vadd.f32 v31, v53  }
0x47: {  	v40 =	vld.idx.msk [tilespmem:v24+s2+$0x0], $0xffff;
	v19 =	vadd.f32 v19, v33;
	v26 =	vadd.f32 v34, v28;
	v28 =	vmax.f32 v35, $0.0e+00  }
0x48: {  	v24 =	vmax.f32 v37, $0.0e+00;
	v20 =	vadd.f32 v28, v31;
	v28 =	vmin.f32 v35, $0.0e+00;
	v31 =	vld.idx.msk [tilespmem:v25+s8+$0x0], $0xffff  }
0x49: {  	v18 =	vadd.s32 v3, v39;
	v34 =	vadd.f32 v35, v26;
	v26 =	vld.idx.msk [tilespmem:v36+s2+$0x0], $0xffff;
	v19 =	vadd.f32 v28, v19  }
0x4a: {  	[tilespmem:v27+s13+$0x0] =	vst.idx.add.f32.msk $0xffff, v4;
	v28 =	vadd.s32 s28, v5;
	v59 =	vadd.f32 v24, v20;
	v20 =	vmin.f32 v37, $0.0e+00  }
0x4b: {  	s17 =	simm.s32 $0xB;
	v27 =	vadd.s32 v6, v21;
	v21 =	vld.idx.msk [tilespmem:v55+s2+$0x0], $0xffff;
	v60 =	vadd.f32 v20, v19;
	v19 =	vadd.s32 v3, v57  }
0x4c: {  	v29 =	vadd.f32 v51, v29;
	v30 =	vadd.f32 v52, v30;
	v33 =	vadd.s32 s17, v0;
	v24 =	vld.idx.msk [tilespmem:v25+s2+$0x0], $0xffff  }
0x4d: {  	v35 =	vadd.s32 s31, v5;
	[tilespmem:v61+s13+$0x0] =	vst.idx.add.f32.msk $0xffff, v4;
	v20 =	vadd.s32 v3, v31;
	v31 =	vmin.f32 v40, $0.0e+00  }
0x4e: {  	v41 =	vadd.f32 v37, v34;
	[tilespmem:v18+s13+$0x0] =	vst.idx.add.f32.msk $0xffff, v4;
	v18 =	vmax.f32 v40, $0.0e+00;
	v30 =	vadd.f32 v31, v30  }
0x4f: {  	v25 =	vadd.s32 v6, v23;
	v18 =	vadd.f32 v18, v29;
	v44 =	vld.idx.msk [tilespmem:v28+s2+$0x0], $0xffff;
	v31 =	vmin.f32 v26, $0.0e+00  }
0x50: {  	s16 =	simm.s32 $0x8;
	v23 =	vadd.s32 v6, v56;
	[tilespmem:v19+s13+$0x0] =	vst.idx.add.f32.msk $0xffff, v4;
	v19 =	vmax.f32 v26, $0.0e+00;
	v30 =	vadd.f32 v31, v30  }
0x51: {  	v29 =	vadd.s32 s16, v0;
	v62 =	vmin.f32 v24, $0.0e+00;
	v19 =	vadd.f32 v19, v18;
	v18 =	vld.idx.msk [tilespmem:v42+s2+$0x0], $0xffff  }
0x52: {  	s19 =	simm.s32 $0x9;
	v63 =	vmax.f32 v21, $0.0e+00;
	[tilespmem:v20+s13+$0x0] =	vst.idx.add.f32.msk $0xffff, v4;
	v20 =	vmax.f32 v24, $0.0e+00;
	v30 =	vadd.f32 v62, v30  }
0x53: {  	v38 =	vmin.f32 v21, $0.0e+00;
	v31 =	vadd.s32 s19, v0;
	v20 =	vadd.f32 v20, v19;
	v19 =	vld.idx.msk [tilespmem:v43+s2+$0x0], $0xffff  }
0x54: {  	v42 =	vld.idx.msk [tilespmem:v42+s8+$0x0], $0xffff;
	v45 =	vmax.f32 v44, $0.0e+00;
	v34 =	vadd.f32 v38, v30;
	v38 =	vadd.f32 v40, v22  }
0x55: {  	v39 =	vadd.f32 v45, v59;
	v22 =	vmin.f32 v44, $0.0e+00;
	v37 =	vadd.f32 v63, v20;
	v20 =	vld.idx.msk [tilespmem:v35+s2+$0x0], $0xffff  }
0x56: {  	s20 =	simm.s32 $0xC;
	v36 =	vld.idx.msk [tilespmem:v43+s8+$0x0], $0xffff;
	v40 =	vadd.f32 v22, v60;
	v22 =	vadd.f32 v44, v41;
	v41 =	vmax.f32 v18, $0.0e+00  }
.LBB2_6:
0x57: {  	p0 =	slt.u32 s20, $0xC4;
	v26 =	vadd.f32 v26, v38;
	v30 =	vadd.f32 v41, v39;
	v38 =	vmin.f32 v18, $0.0e+00;
	v35 =	vld.idx.msk [tilespmem:v35+s8+$0x0], $0xffff  }
0x58: {  	v28 =	vld.idx.msk [tilespmem:v28+s8+$0x0], $0xffff;
	v38 =	vadd.f32 v38, v40;
	v18 =	vadd.f32 v18, v22;
	v22 =	vmax.f32 v19, $0.0e+00  }
0x59: {  	v24 =	vadd.f32 v24, v26;
	v22 =	vadd.f32 v22, v30;
	v26 =	vmin.f32 v19, $0.0e+00;
	[tilespmem:v27+s13+$0x0] =	vst.idx.add.f32.msk $0xffff, v4  }
0x5a: {  	v30 =	vld.idx.msk [tilespmem:v29+s8+$0x0], $0xffff;
	v26 =	vadd.f32 v26, v38;
	v18 =	vadd.f32 v19, v18;
	v19 =	vmax.f32 v20, $0.0e+00  }
0x5b: {  	v38 =	vadd.f32 v21, v24;
	v22 =	vadd.f32 v19, v22;
	v19 =	vmin.f32 v20, $0.0e+00;
	[tilespmem:v25+s13+$0x0] =	vst.idx.add.f32.msk $0xffff, v4  }
0x5c: {  	v24 =	vadd.s32 v6, v42;
	v21 =	vld.idx.msk [tilespmem:v31+s8+$0x0], $0xffff;
	v40 =	vadd.f32 v19, v26;
	v41 =	vadd.f32 v20, v18  }
0x5d: {  	v27 =	vadd.s32 v6, v36;
	v25 =	vadd.s32 v6, v35;
	[tilespmem:v23+s13+$0x0] =	vst.idx.add.f32.msk $0xffff, v4  }
0x5e: {  	v23 =	vadd.s32 v6, v28;
	v18 =	vld.idx.msk [tilespmem:v32+s8+$0x0], $0xffff  }
0x5f: {  	v36 =	vld.idx.msk [tilespmem:v29+s2+$0x0], $0xffff  }
0x60: {  	v19 =	vadd.s32 v3, v30;
	v20 =	vld.idx.msk [tilespmem:v33+s8+$0x0], $0xffff  }
0x61: {  	v28 =	vadd.s32 s16, v5;
	s16 =	smov.u32 s20;
	v26 =	vld.idx.msk [tilespmem:v31+s2+$0x0], $0xffff  }
0x62: {  	v29 =	vadd.s32 v3, v21;
	[tilespmem:v24+s13+$0x0] =	vst.idx.add.f32.msk $0xffff, v4  }
0x63: {  	v30 =	vadd.s32 s19, v5;
	v24 =	vld.idx.msk [tilespmem:v32+s2+$0x0], $0xffff  }
0x64: {  	v32 =	vadd.s32 v3, v18;
	v21 =	vld.idx.msk [tilespmem:v33+s2+$0x0], $0xffff  }
0x65: {  	v43 =	vadd.s32 s18, v5;
	v18 =	vmax.f32 v36, $0.0e+00;
	[tilespmem:v19+s13+$0x0] =	vst.idx.add.f32.msk $0xffff, v4;
	v19 =	vmin.f32 v36, $0.0e+00  }
0x66: {  	v18 =	vadd.f32 v18, v37;
	v20 =	vadd.s32 v3, v20;
	v19 =	vadd.f32 v19, v34;
	v44 =	vld.idx.msk [tilespmem:v28+s2+$0x0], $0xffff  }
0x67: {  	v35 =	vadd.s32 s17, v5;
	v31 =	vmax.f32 v26, $0.0e+00;
	v33 =	vmin.f32 v26, $0.0e+00;
	[tilespmem:v29+s13+$0x0] =	vst.idx.add.f32.msk $0xffff, v4  }
0x68: {  	s19 =	sadd.s32 $0x1, s20;
	v29 =	vadd.s32 s20, v0;
	v34 =	vadd.f32 v31, v18;
	v19 =	vadd.f32 v33, v19;
	v18 =	vld.idx.msk [tilespmem:v30+s2+$0x0], $0xffff  }
0x69: {  	s18 =	sadd.s32 $0x2, s20;
	v31 =	vadd.s32 s19, v0;
	v33 =	vmax.f32 v24, $0.0e+00;
	v37 =	vmin.f32 v24, $0.0e+00;
	[tilespmem:v32+s13+$0x0] =	vst.idx.add.f32.msk $0xffff, v4  }
.Ltmp2:
0x6a: {  	s17 =	sadd.s32 $0x3, s20;
	v32 =	vadd.s32 s18, v0;
	v34 =	vadd.f32 v33, v34;
	v39 =	vadd.f32 v37, v19;
	v19 =	vld.idx.msk [tilespmem:v43+s2+$0x0], $0xffff;
	(pc) =	sbr.rel @p0 .LBB2_6-.Ltmp2, $4  }
0x6b: {  	v33 =	vadd.s32 s17, v0;
	v42 =	vmin.f32 v21, $0.0e+00;
	[tilespmem:v20+s13+$0x0] =	vst.idx.add.f32.msk $0xffff, v4;
	v20 =	vmax.f32 v21, $0.0e+00  }
0x6c: {  	v45 =	vmax.f32 v44, $0.0e+00;
	v37 =	vadd.f32 v20, v34;
	v34 =	vadd.f32 v42, v39;
	v20 =	vld.idx.msk [tilespmem:v35+s2+$0x0], $0xffff  }
0x6d: {  	v38 =	vadd.f32 v36, v38;
	v39 =	vadd.f32 v45, v22;
	v22 =	vmin.f32 v44, $0.0e+00;
	v42 =	vld.idx.msk [tilespmem:v30+s8+$0x0], $0xffff  }
0x6e: {  	s20 =	sadd.s32 $0x4, s20;
	v40 =	vadd.f32 v22, v40;
	v22 =	vadd.f32 v44, v41;
	v41 =	vmax.f32 v18, $0.0e+00;
	v36 =	vld.idx.msk [tilespmem:v43+s8+$0x0], $0xffff  }
0x6f: {  	_ =	sdelay $0x3  }
0x70: {  	v43 =	vld.idx.msk [tilespmem:v29+s2+$0x0], $0xffff  }
0x71: {  	v44 =	vld.idx.msk [tilespmem:v31+s2+$0x0], $0xffff  }
0x72: {  	v30 =	vld.idx.msk [tilespmem:v32+s2+$0x0], $0xffff  }
0x73: {  	v45 =	vld.idx.msk [tilespmem:v29+s8+$0x0], $0xffff  }
0x74: {  	v29 =	vld.idx.msk [tilespmem:v33+s2+$0x0], $0xffff  }
0x75: {  	v31 =	vld.idx.msk [tilespmem:v31+s8+$0x0], $0xffff;
	v46 =	vmax.f32 v43, $0.0e+00  }
0x76: {  	v49 =	vld.idx.msk [tilespmem:v32+s8+$0x0], $0xffff;
	v63 =	vmin.f32 v43, $0.0e+00;
	v37 =	vadd.f32 v46, v37  }
0x77: {  	v51 =	vld.idx.msk [tilespmem:v33+s8+$0x0], $0xffff;
	v48 =	vmax.f32 v44, $0.0e+00;
	v34 =	vadd.f32 v63, v34  }
0x78: {  	v35 =	vld.idx.msk [tilespmem:v35+s8+$0x0], $0xffff;
	v42 =	vadd.s32 v6, v42;
	v50 =	vmin.f32 v44, $0.0e+00;
	v37 =	vadd.f32 v48, v37  }
0x79: {  	v28 =	vld.idx.msk [tilespmem:v28+s8+$0x0], $0xffff;
	v52 =	vmax.f32 v30, $0.0e+00;
	v45 =	vadd.s32 v3, v45;
	v34 =	vadd.f32 v50, v34  }
0x7a: {  	[tilespmem:v27+s13+$0x0] =	vst.idx.add.f32.msk $0xffff, v4;
	v53 =	vmin.f32 v30, $0.0e+00;
	v27 =	vadd.s32 v3, v31;
	v37 =	vadd.f32 v52, v37  }
0x7b: {  	[tilespmem:v25+s13+$0x0] =	vst.idx.add.f32.msk $0xffff, v4;
	v54 =	vmax.f32 v29, $0.0e+00;
	v25 =	vadd.s32 v3, v49;
	v34 =	vadd.f32 v53, v34  }
0x7c: {  	[tilespmem:v23+s13+$0x0] =	vst.idx.add.f32.msk $0xffff, v4;
	v31 =	vmin.f32 v29, $0.0e+00;
	v23 =	vadd.s32 v3, v51;
	v37 =	vadd.f32 v54, v37  }
0x7d: {  	v55 =	vadd.s32 s16, v5;
	[tilespmem:v42+s13+$0x0] =	vst.idx.add.f32.msk $0xffff, v4;
	v31 =	vadd.f32 v31, v34  }
0x7e: {  	v57 =	vadd.s32 s18, v5;
	[tilespmem:v45+s13+$0x0] =	vst.idx.add.f32.msk $0xffff, v4;
	v32 =	vadd.f32 $1.000000000e+00, v37  }
0x7f: {  	v56 =	vadd.s32 s19, v5;
	[tilespmem:v27+s13+$0x0] =	vst.idx.add.f32.msk $0xffff, v4;
	v31 =	vsub.f32 $1.000000000e+00, v31  }
0x80: {  	v59 =	vadd.s32 s17, v5;
	[tilespmem:v25+s13+$0x0] =	vst.idx.add.f32.msk $0xffff, v4;
	v37 =	vand.u32 $0x7FFFFF, v32  }
0x81: {  	v26 =	vadd.f32 v26, v38;
	[tilespmem:v23+s13+$0x0] =	vst.idx.add.f32.msk $0xffff, v4;
	v58 =	vand.u32 $0x7FFFFF, v31;
	v27 =	vor.u32 $0x3F800000, v37  }
0x82: {  	v36 =	vadd.s32 v6, v36;
	v23 =	vld.idx.msk [tilespmem:v55+s2+$0x0], $0xffff;
	v37 =	vor.u32 $0x3F800000, v58;
	v25 =	vadd.f32 $1.000000000e+00, v27  }
0x83: {  	v61 =	vadd.f32 v41, v39;
	v62 =	vmin.f32 v18, $0.0e+00;
	v63 =	vld.idx.msk [tilespmem:v57+s8+$0x0], $0xffff;
	v60 =	vadd.f32 $1.000000000e+00, v37  }
0x84: {  	v39 =	vadd.f32 v62, v40;
	v35 =	vadd.s32 v6, v35;
	(erf) = vrcp.f32 v25;
	v25 =	vld.idx.msk [tilespmem:v56+s8+$0x0], $0xffff  }
0x85: {  	v24 =	vadd.f32 v24, v26;
	v26 =	vmin.f32 v19, $0.0e+00;
	v49 =	vld.idx.msk [tilespmem:v59+s8+$0x0], $0xffff;
	(erf) = vrcp.f32 v60  }
0x86: {  	v26 =	vadd.f32 v26, v39;
	v28 =	vadd.s32 v6, v28;
	v33 =	vld.idx.msk [tilespmem:v55+s8+$0x0], $0xffff  }
0x87: {  	v51 =	vmin.f32 v20, $0.0e+00;
	[tilespmem:v36+s13+$0x0] =	vst.idx.add.f32.msk $0xffff, v4  }
0x88: {  	v26 =	vadd.f32 v51, v26;
	v48 =	vmax.f32 v19, $0.0e+00;
	v34 =	vld.idx.msk [tilespmem:v56+s2+$0x0], $0xffff;
	v41 =	vadd.s32 v6, v63  }
0x89: {  	v38 =	vadd.f32 v48, v61;
	[tilespmem:v35+s13+$0x0] =	vst.idx.add.f32.msk $0xffff, v4;
	v25 =	vadd.s32 v6, v25  }
0x8a: {  	v50 =	vadd.f32 v21, v24;
	v24 =	vmax.f32 v20, $0.0e+00;
	v21 =	vld.idx.msk [tilespmem:v57+s2+$0x0], $0xffff;
	v52 =	vadd.s32 v6, v49  }
0x8b: {  	[tilespmem:v28+s13+$0x0] =	vst.idx.add.f32.msk $0xffff, v4;
	v38 =	vadd.f32 v24, v38;
	v33 =	vadd.s32 v6, v33;
	v55 =	vmin.f32 v23, $0.0e+00  }
0x8c: {  	v39 =	vadd.f32 v43, v50;
	v24 =	vld.idx.msk [tilespmem:v59+s2+$0x0], $0xffff;
	v53 =	vmax.f32 v23, $0.0e+00;
	v26 =	vadd.f32 v55, v26  }
0x8d: {  	v38 =	vadd.f32 v53, v38;
	v37 =	vadd.f32 $-1.000000000e+00, v37;
	v56 =	vmin.f32 v34, $0.0e+00;
	[tilespmem:v41+s13+$0x0] =	vst.idx.add.f32.msk $0xffff, v4;
	v54 =	vpop (erf)  }
0x8e: {  	v27 =	vadd.f32 $-1.000000000e+00, v27;
	v26 =	vadd.f32 v56, v26;
	v28 =	vpop (erf);
	[tilespmem:v25+s13+$0x0] =	vst.idx.add.f32.msk $0xffff, v4;
	v25 =	vmax.f32 v34, $0.0e+00  }
0x8f: {  	v59 =	vmin.f32 v21, $0.0e+00;
	[tilespmem:v52+s13+$0x0] =	vst.idx.add.f32.msk $0xffff, v4;
	v28 =	vmul.f32 v28, v37;
	v25 =	vadd.f32 v25, v38  }
0x90: {  	v57 =	vmax.f32 v21, $0.0e+00;
	[tilespmem:v33+s13+$0x0] =	vst.idx.add.f32.msk $0xffff, v4;
	v26 =	vadd.f32 v59, v26;
	v27 =	vmul.f32 v54, v27  }
0x91: {  	v45 =	vmin.f32 v24, $0.0e+00;
	v61 =	vld [tilespmem:$0x3200];
	v58 =	vmul.f32 v28, v28;
	v25 =	vadd.f32 v57, v25  }
0x92: {  	v60 =	vmax.f32 v24, $0.0e+00;
	v26 =	vadd.f32 v45, v26;
	v62 =	vmul.f32 v27, v27  }
0x93: {  	v63 =	vmul.f32 $1.428571490e-01, v58;
	v25 =	vadd.f32 v60, v25  }
0x94: {  	v39 =	vadd.f32 v44, v39;
	v26 =	vsub.f32 $1.000000000e+00, v26;
	v46 =	vmul.f32 $1.428571490e-01, v62  }
0x95: {  	v32 =	vshra.s32 v32, $0x17;
	v40 =	vadd.f32 $2.000000030e-01, v63;
	v25 =	vadd.f32 $1.000000000e+00, v25  }
0x96: {  	v31 =	vshra.s32 v31, $0x17;
	v47 =	vadd.f32 $2.000000030e-01, v46;
	v37 =	vcvt.s32.f32 v61  }
0x97: {  	v51 =	vand.u32 $0x7FFFFF, v26;
	v48 =	vmul.f32 v40, v58;
	v49 =	vand.u32 $0x7FFFFF, v25  }
0x98: {  	v33 =	vmul.f32 v47, v62;
	v50 =	vadd.f32 $9.999999710e-10, v37;
	v40 =	vor.u32 $0x3F800000, v49  }
0x99: {  	v42 =	vor.u32 $0x3F800000, v51;
	v36 =	vadd.f32 $3.333333430e-01, v48;
	v52 =	vadd.f32 $1.000000000e+00, v40  }
0x9a: {  	v53 =	vadd.f32 $1.000000000e+00, v42;
	v33 =	vadd.f32 $3.333333430e-01, v33;
	(erf) = vrcp.f32 v50  }
0x9b: {  	v32 =	vadd.s32 $0xFFFFFF81, v32;
	v35 =	vmul.f32 v36, v58;
	(erf) = vrcp.f32 v52  }
0x9c: {  	v31 =	vadd.s32 $0xFFFFFF81, v31;
	v33 =	vmul.f32 v33, v62;
	(erf) = vrcp.f32 v53  }
0x9d: {  	v31 =	vcvt.s32.f32 v31;
	v28 =	vadd.f32 v28, v28;
	v35 =	vadd.f32 $1.000000000e+00, v35  }
0x9e: {  	v32 =	vcvt.s32.f32 v32;
	v27 =	vadd.f32 v27, v27;
	v33 =	vadd.f32 $1.000000000e+00, v33  }
0x9f: {  	v30 =	vadd.f32 v30, v39;
	v31 =	vmul.f32 $6.931471820e-01, v31;
	v28 =	vmul.f32 v35, v28  }
0xa0: {  	v32 =	vmul.f32 $6.931471820e-01, v32;
	v27 =	vmul.f32 v33, v27  }
0xa1: {  	v28 =	vadd.f32 v28, v31  }
0xa2: {  	v29 =	vadd.f32 v29, v30;
	v27 =	vadd.f32 v27, v32  }
0xa3: {  	[tilespmem:v1+s13+$0x0] =	vst.idx.msk $0xffff, v37;
	v30 =	vpop (erf);
	v28 =	vsub.f32 $0.0e+00, v28  }
0xa4: {  	[tilespmem:v7+s13+$0x0] =	vst.idx.msk $0xffff, v27;
	v27 =	vmul.f32 v30, v29;
	v29 =	vadd.f32 $-1.000000000e+00, v42;
	v31 =	vpop (erf)  }
0xa5: {  	[tilespmem:v8+s13+$0x0] =	vst.idx.msk $0xffff, v28;
	v28 =	vadd.f32 $-1.000000000e+00, v40;
	v30 =	vpop (erf)  }
0xa6: {  	v18 =	vadd.f32 v18, v22;
	v54 =	vimm.f32 $0.0e+00;
	[tilespmem:v9+s13+$0x0] =	vst.idx.msk $0xffff, v27;
	v27 =	vmul.f32 v30, v29  }
0xa7: {  	[tilespmem:v3+s13+$0x0] =	vst.idx.msk $0xffff, v54;
	v28 =	vmul.f32 v31, v28  }
0xa8: {  	v18 =	vadd.f32 v19, v18;
	v29 =	vld [tilespmem:$0x3210];
	v30 =	vmul.f32 v27, v27  }
0xa9: {  	v22 =	vmul.f32 v28, v28  }
0xaa: {  	v18 =	vadd.f32 v20, v18;
	v31 =	vmul.f32 $1.428571490e-01, v30  }
0xab: {  	v19 =	vmul.f32 $1.428571490e-01, v22  }
0xac: {  	v18 =	vadd.f32 v23, v18;
	v31 =	vadd.f32 $2.000000030e-01, v31  }
0xad: {  	v20 =	vcvt.s32.f32 v29;
	v19 =	vadd.f32 $2.000000030e-01, v19  }
0xae: {  	v18 =	vadd.f32 v34, v18;
	v29 =	vmul.f32 v31, v30  }
0xaf: {  	v19 =	vmul.f32 v19, v22;
	v23 =	vadd.f32 $9.999999710e-10, v20  }
0xb0: {  	v18 =	vadd.f32 v21, v18;
	v29 =	vadd.f32 $3.333333430e-01, v29  }
0xb1: {  	v19 =	vadd.f32 $3.333333430e-01, v19;
	(erf) = vrcp.f32 v23;
	v23 =	vshra.s32 v25, $0x17  }
0xb2: {  	v25 =	vshra.s32 v26, $0x17;
	v26 =	vmul.f32 v29, v30;
	v23 =	vadd.s32 $0xFFFFFF81, v23  }
0xb3: {  	v19 =	vmul.f32 v19, v22;
	v22 =	vadd.s32 $0xFFFFFF81, v25;
	v23 =	vcvt.s32.f32 v23  }
0xb4: {  	v25 =	vadd.f32 v27, v27;
	v26 =	vadd.f32 $1.000000000e+00, v26;
	v22 =	vcvt.s32.f32 v22  }
0xb5: {  	v27 =	vadd.f32 v28, v28;
	v19 =	vadd.f32 $1.000000000e+00, v19;
	v21 =	vmul.f32 $6.931471820e-01, v23  }
0xb6: {  	v25 =	vmul.f32 v26, v25;
	v22 =	vmul.f32 $6.931471820e-01, v22  }
0xb7: {  	v19 =	vmul.f32 v19, v27  }
0xb8: {  	v22 =	vadd.f32 v25, v22  }
0xb9: {  	s23 =	simm.s32 $0x0;
	v18 =	vadd.f32 v24, v18;
	v19 =	vadd.f32 v19, v21  }
0xba: {  	[tilespmem:v10+s13+$0x0] =	vst.idx.msk $0xffff, v20;
	v20 =	vsub.f32 $0.0e+00, v22;
	v21 =	vpop (erf);
	v22 =	vadd.s32 s23, v14  }
0xbb: {  	s24 =	simm.s32 $0x1;
	[tilespmem:v11+s13+$0x0] =	vst.idx.msk $0xffff, v19;
	v18 =	vmul.f32 v21, v18;
	v19 =	vadd.s32 s23, v15  }
0xbc: {  	[tilespmem:v12+s13+$0x0] =	vst.idx.msk $0xffff, v20;
	v20 =	vadd.s32 s24, v14  }
0xbd: {  	s25 =	simm.s32 $0x2;
	v21 =	vadd.s32 s24, v15;
	[tilespmem:v13+s13+$0x0] =	vst.idx.msk $0xffff, v18  }
0xbe: {  	v23 =	vadd.s32 s25, v14;
	[tilespmem:v6+s13+$0x0] =	vst.idx.msk $0xffff, v54  }
0xbf: {  	s26 =	simm.s32 $0x3;
	s29 =	simm.s32 $0x7;
	v24 =	vld.idx.msk [tilespmem:v22+s13+$0x0], $0xffff;
	v22 =	vadd.s32 s25, v15  }
0xc0: {  	s31 =	simm.s32 $0x6;
	v55 =	vadd.s32 s29, v14;
	v26 =	vadd.s32 s26, v14;
	v25 =	vld.idx.msk [tilespmem:v19+s13+$0x0], $0xffff  }
0xc1: {  	s28 =	simm.s32 $0x4;
	s30 =	simm.s32 $0x5;
	v56 =	vadd.s32 s29, v15;
	v59 =	vadd.s32 s31, v15;
	v27 =	vadd.s32 s26, v15;
	v28 =	vld.idx.msk [tilespmem:v20+s13+$0x0], $0xffff  }
0xc2: {  	s16 =	simm.s32 $0x8;
	v57 =	vadd.s32 s30, v14;
	v61 =	vadd.s32 s30, v15;
	v29 =	vadd.s32 s28, v14;
	v30 =	vld.idx.msk [tilespmem:v21+s13+$0x0], $0xffff  }
0xc3: {  	s20 =	simm.s32 $0x9;
	v58 =	vadd.s32 s31, v14;
	v31 =	vadd.s32 s28, v15;
	v18 =	vadd.s32 s16, v15;
	v23 =	vld.idx.msk [tilespmem:v23+s13+$0x0], $0xffff  }
0xc4: {  	s18 =	simm.s32 $0xA;
	v19 =	vadd.s32 s16, v14;
	v21 =	vadd.s32 s20, v15;
	v60 =	vld.idx.msk [tilespmem:v22+s13+$0x0], $0xffff;
	vm0 =	vgt.f32 v24, $0.0e+00  }
0xc5: {  	v26 =	vld.idx.msk [tilespmem:v26+s13+$0x0], $0xffff;
	v20 =	vadd.s32 s18, v14;
	vm1 =	vgt.f32 v25, $0.0e+00;
	v25 =	vsel vm0, $0x3F800000, v2  }
0xc6: {  	v24 =	vld.idx.msk [tilespmem:v27+s13+$0x0], $0xffff;
	v27 =	vsel vm1, $0x3F800000, v2;
	vm0 =	vgt.f32 v28, $0.0e+00;
	v25 =	vadd.f32 v25, v54  }
0xc7: {  	v28 =	vld.idx.msk [tilespmem:v29+s13+$0x0], $0xffff;
	vm1 =	vgt.f32 v30, $0.0e+00;
	v27 =	vadd.f32 v27, v54;
	v30 =	vsel vm0, $0x3F800000, v2  }
0xc8: {  	v29 =	vld.idx.msk [tilespmem:v31+s13+$0x0], $0xffff;
	v31 =	vsel vm1, $0x3F800000, v2;
	vm0 =	vgt.f32 v23, $0.0e+00;
	v23 =	vadd.f32 v30, v25  }
0xc9: {  	v62 =	vld.idx.msk [tilespmem:v57+s13+$0x0], $0xffff;
	v25 =	vadd.f32 v31, v27;
	vm1 =	vgt.f32 v60, $0.0e+00;
	v27 =	vsel vm0, $0x3F800000, v2  }
0xca: {  	v30 =	vld.idx.msk [tilespmem:v61+s13+$0x0], $0xffff;
	vm0 =	vgt.f32 v26, $0.0e+00;
	v31 =	vsel vm1, $0x3F800000, v2;
	v23 =	vadd.f32 v27, v23  }
0xcb: {  	v63 =	vld.idx.msk [tilespmem:v58+s13+$0x0], $0xffff;
	vm1 =	vgt.f32 v24, $0.0e+00;
	v24 =	vsel vm0, $0x3F800000, v2;
	v25 =	vadd.f32 v31, v25  }
0xcc: {  	v26 =	vsel vm1, $0x3F800000, v2;
	vm0 =	vgt.f32 v28, $0.0e+00;
	v24 =	vadd.f32 v24, v23;
	v23 =	vld.idx.msk [tilespmem:v59+s13+$0x0], $0xffff  }
0xcd: {  	vm1 =	vgt.f32 v29, $0.0e+00;
	v27 =	vsel vm0, $0x3F800000, v2;
	v26 =	vadd.f32 v26, v25;
	v25 =	vld.idx.msk [tilespmem:v55+s13+$0x0], $0xffff  }
0xce: {  	v22 =	vadd.s32 s20, v14;
	v28 =	vsel vm1, $0x3F800000, v2;
	v27 =	vadd.f32 v27, v24;
	v24 =	vld.idx.msk [tilespmem:v56+s13+$0x0], $0xffff  }
0xcf: {  	vm0 =	vgt.f32 v62, $0.0e+00;
	vm1 =	vgt.f32 v30, $0.0e+00;
	v26 =	vadd.f32 v28, v26  }
0xd0: {  	s19 =	simm.s32 $0x10;
	v29 =	vsel vm0, $0x3F800000, v2;
	vm0 =	vgt.f32 v63, $0.0e+00;
	v28 =	vsel vm1, $0x3F800000, v2  }
.LBB2_8:
0xd1: {  	p0 =	slt.u32 s19, $0x70;
	v27 =	vadd.f32 v29, v27;
	v26 =	vadd.f32 v28, v26;
	vm1 =	vgt.f32 v23, $0.0e+00  }
0xd2: {  	v23 =	vsel vm0, $0x3F800000, v2;
	vm0 =	vgt.f32 v25, $0.0e+00;
	v28 =	vsel vm1, $0x3F800000, v2  }
0xd3: {  	vm1 =	vgt.f32 v24, $0.0e+00;
	v23 =	vadd.f32 v23, v27;
	v25 =	vadd.f32 v28, v26  }
0xd4: {  	v26 =	vadd.s32 s18, v15;
	s18 =	sadd.s32 $0x3, s16;
	v27 =	vsel vm1, $0x3F800000, v2;
	v24 =	vld.idx.msk [tilespmem:v19+s13+$0x0], $0xffff;
	v19 =	vsel vm0, $0x3F800000, v2  }
0xd5: {  	s17 =	simm.s32 $0x78;
	v29 =	vadd.s32 s18, v14;
	v28 =	vld.idx.msk [tilespmem:v18+s13+$0x0], $0xffff;
	v23 =	vadd.f32 v19, v23;
	v25 =	vadd.f32 v27, v25  }
0xd6: {  	v30 =	vadd.s32 s18, v15;
	s18 =	sadd.s32 $0x4, s16;
	v27 =	vld.idx.msk [tilespmem:v22+s13+$0x0], $0xffff  }
0xd7: {  	s20 =	sadd.s32 $0x7, s16;
	v19 =	vadd.s32 s19, v14;
	v18 =	vadd.s32 s19, v15;
	v32 =	vadd.s32 s18, v14;
	v31 =	vld.idx.msk [tilespmem:v21+s13+$0x0], $0xffff  }
0xd8: {  	s21 =	sadd.s32 $0x5, s16;
	s22 =	sadd.s32 $0x6, s16;
	v35 =	vadd.s32 s20, v14;
	v36 =	vadd.s32 s20, v15;
	s16 =	smov.u32 s19;
	v34 =	vadd.s32 s18, v15;
	v33 =	vld.idx.msk [tilespmem:v20+s13+$0x0], $0xffff  }
0xd9: {  	s20 =	sadd.s32 $0x1, s19;
	v37 =	vadd.s32 s21, v14;
	v38 =	vadd.s32 s22, v14;
	v39 =	vadd.s32 s22, v15;
	s18 =	sadd.s32 $0x2, s19;
	v26 =	vld.idx.msk [tilespmem:v26+s13+$0x0], $0xffff  }
0xda: {  	v40 =	vadd.s32 s21, v15;
	v22 =	vadd.s32 s20, v14;
	v20 =	vadd.s32 s18, v14;
	v29 =	vld.idx.msk [tilespmem:v29+s13+$0x0], $0xffff  }
0xdb: {  	v21 =	vadd.s32 s20, v15;
	vm0 =	vgt.f32 v24, $0.0e+00;
	vm1 =	vgt.f32 v28, $0.0e+00;
	v24 =	vld.idx.msk [tilespmem:v30+s13+$0x0], $0xffff  }
0xdc: {  	v28 =	vsel vm0, $0x3F800000, v2;
	v30 =	vsel vm1, $0x3F800000, v2;
	vm0 =	vgt.f32 v27, $0.0e+00;
	v27 =	vld.idx.msk [tilespmem:v32+s13+$0x0], $0xffff  }
0xdd: {  	v23 =	vadd.f32 v28, v23;
	v25 =	vadd.f32 v30, v25;
	vm1 =	vgt.f32 v31, $0.0e+00;
	v28 =	vld.idx.msk [tilespmem:v34+s13+$0x0], $0xffff  }
0xde: {  	v30 =	vsel vm0, $0x3F800000, v2;
	v31 =	vsel vm1, $0x3F800000, v2;
	vm0 =	vgt.f32 v33, $0.0e+00;
	v32 =	vld.idx.msk [tilespmem:v37+s13+$0x0], $0xffff  }
0xdf: {  	v23 =	vadd.f32 v30, v23;
	v25 =	vadd.f32 v31, v25;
	vm1 =	vgt.f32 v26, $0.0e+00;
	v30 =	vld.idx.msk [tilespmem:v40+s13+$0x0], $0xffff  }
0xe0: {  	v26 =	vsel vm0, $0x3F800000, v2;
	v31 =	vsel vm1, $0x3F800000, v2;
	vm0 =	vgt.f32 v29, $0.0e+00;
	v33 =	vld.idx.msk [tilespmem:v38+s13+$0x0], $0xffff  }
0xe1: {  	v26 =	vadd.f32 v26, v23;
	v29 =	vadd.f32 v31, v25;
	vm1 =	vgt.f32 v24, $0.0e+00;
	v23 =	vld.idx.msk [tilespmem:v39+s13+$0x0], $0xffff  }
.Ltmp3:
0xe2: {  	v24 =	vsel vm0, $0x3F800000, v2;
	v31 =	vsel vm1, $0x3F800000, v2;
	vm0 =	vgt.f32 v27, $0.0e+00;
	v25 =	vld.idx.msk [tilespmem:v35+s13+$0x0], $0xffff;
	(pc) =	sbr.rel @p0 .LBB2_8-.Ltmp3, $4  }
0xe3: {  	v26 =	vadd.f32 v24, v26;
	v29 =	vadd.f32 v31, v29;
	vm1 =	vgt.f32 v28, $0.0e+00;
	v24 =	vld.idx.msk [tilespmem:v36+s13+$0x0], $0xffff  }
0xe4: {  	v27 =	vsel vm0, $0x3F800000, v2;
	v28 =	vsel vm1, $0x3F800000, v2;
	vm0 =	vgt.f32 v32, $0.0e+00  }
0xe5: {  	v27 =	vadd.f32 v27, v26;
	v26 =	vadd.f32 v28, v29;
	vm1 =	vgt.f32 v30, $0.0e+00  }
0xe6: {  	s19 =	sadd.s32 $0x8, s19;
	v29 =	vsel vm0, $0x3F800000, v2;
	v28 =	vsel vm1, $0x3F800000, v2;
	vm0 =	vgt.f32 v33, $0.0e+00  }
0xe7: {  	_ =	sdelay $0x1  }
0xe8: {  	v27 =	vadd.f32 v29, v27;
	vm1 =	vgt.f32 v23, $0.0e+00  }
0xe9: {  	v36 =	vadd.f32 v28, v26;
	v37 =	vsel vm0, $0x3F800000, v2;
	vm10 =	vgt.f32 v25, $0.0e+00  }
0xea: {  	v19 =	vld.idx.msk [tilespmem:v19+s13+$0x0], $0xffff;
	v40 =	vadd.s32 s18, v15;
	s28 =	sadd.s32 $0x3, s16;
	v38 =	vsel vm1, $0x3F800000, v2;
	vm11 =	vgt.f32 v24, $0.0e+00  }
0xeb: {  	v18 =	vld.idx.msk [tilespmem:v18+s13+$0x0], $0xffff;
	s29 =	sadd.s32 $0x4, s16;
	s19 =	sadd.s32 $0x7, s16;
	v41 =	vadd.s32 s28, v14;
	v42 =	vsel vm10, $0x3F800000, v2;
	v44 =	vadd.s32 s28, v15  }
0xec: {  	v22 =	vld.idx.msk [tilespmem:v22+s13+$0x0], $0xffff;
	s30 =	sadd.s32 $0x5, s16;
	v45 =	vadd.s32 s29, v14;
	v46 =	vadd.s32 s29, v15;
	v30 =	vadd.s32 s19, v14  }
0xed: {  	v21 =	vld.idx.msk [tilespmem:v21+s13+$0x0], $0xffff;
	s31 =	sadd.s32 $0x6, s16;
	v31 =	vadd.s32 s19, v15;
	v32 =	vadd.s32 s30, v14;
	v39 =	vadd.f32 v37, v27  }
0xee: {  	v20 =	vld.idx.msk [tilespmem:v20+s13+$0x0], $0xffff;
	v33 =	vadd.s32 s31, v14;
	v34 =	vadd.s32 s31, v15;
	v23 =	vadd.f32 v38, v36  }
0xef: {  	v35 =	vadd.s32 s30, v15;
	v43 =	vsel vm11, $0x3F800000, v2;
	v25 =	vadd.f32 v42, v39;
	v26 =	vld.idx.msk [tilespmem:v40+s13+$0x0], $0xffff  }
0xf0: {  	v23 =	vadd.f32 v43, v23;
	vm12 =	vgt.f32 v19, $0.0e+00;
	vm13 =	vgt.f32 v18, $0.0e+00;
	v24 =	vld.idx.msk [tilespmem:v41+s13+$0x0], $0xffff  }
0xf1: {  	vm14 =	vgt.f32 v22, $0.0e+00;
	v18 =	vld.idx.msk [tilespmem:v44+s13+$0x0], $0xffff;
	v19 =	vsel vm12, $0x3F800000, v2;
	v47 =	vsel vm13, $0x3F800000, v2  }
0xf2: {  	vm15 =	vgt.f32 v21, $0.0e+00;
	v48 =	vld.idx.msk [tilespmem:v45+s13+$0x0], $0xffff;
	v19 =	vadd.f32 v19, v25;
	v23 =	vadd.f32 v47, v23  }
0xf3: {  	vm4 =	vgt.f32 v20, $0.0e+00;
	v49 =	vld.idx.msk [tilespmem:v46+s13+$0x0], $0xffff;
	v50 =	vsel vm14, $0x3F800000, v2;
	v51 =	vsel vm15, $0x3F800000, v2  }
0xf4: {  	v20 =	vld.idx.msk [tilespmem:v32+s13+$0x0], $0xffff;
	v19 =	vadd.f32 v50, v19;
	v23 =	vadd.f32 v51, v23;
	vm5 =	vgt.f32 v26, $0.0e+00  }
0xf5: {  	v52 =	vld.idx.msk [tilespmem:v35+s13+$0x0], $0xffff;
	v53 =	vsel vm4, $0x3F800000, v2;
	v54 =	vsel vm5, $0x3F800000, v2;
	vm6 =	vgt.f32 v24, $0.0e+00  }
0xf6: {  	v55 =	vld.idx.msk [tilespmem:v33+s13+$0x0], $0xffff;
	v19 =	vadd.f32 v53, v19;
	vm7 =	vgt.f32 v18, $0.0e+00;
	v23 =	vadd.f32 v54, v23  }
0xf7: {  	v18 =	vld.idx.msk [tilespmem:v34+s13+$0x0], $0xffff;
	vm8 =	vgt.f32 v48, $0.0e+00;
	v56 =	vsel vm6, $0x3F800000, v2;
	v57 =	vsel vm7, $0x3F800000, v2  }
0xf8: {  	v58 =	vld.idx.msk [tilespmem:v30+s13+$0x0], $0xffff;
	vm9 =	vgt.f32 v49, $0.0e+00;
	v19 =	vadd.f32 v56, v19;
	v23 =	vadd.f32 v57, v23  }
0xf9: {  	v59 =	vld.idx.msk [tilespmem:v31+s13+$0x0], $0xffff;
	vm10 =	vgt.f32 v20, $0.0e+00;
	v60 =	vsel vm8, $0x3F800000, v2;
	v61 =	vsel vm9, $0x3F800000, v2  }
0xfa: {  	vm11 =	vgt.f32 v52, $0.0e+00;
	v19 =	vadd.f32 v60, v19;
	v20 =	vadd.f32 v61, v23  }
0xfb: {  	vm12 =	vgt.f32 v55, $0.0e+00;
	v62 =	vsel vm10, $0x3F800000, v2;
	v25 =	vsel vm11, $0x3F800000, v2  }
0xfc: {  	vm13 =	vgt.f32 v18, $0.0e+00;
	v19 =	vadd.f32 v62, v19;
	v20 =	vadd.f32 v25, v20  }
0xfd: {  	vm14 =	vgt.f32 v58, $0.0e+00;
	v18 =	vsel vm12, $0x3F800000, v2;
	v63 =	vsel vm13, $0x3F800000, v2  }
0xfe: {  	vm15 =	vgt.f32 v59, $0.0e+00;
	v18 =	vadd.f32 v18, v19;
	v20 =	vadd.f32 v63, v20  }
0xff: {  	v21 =	vsel vm15, $0x3F800000, v2;
	v19 =	vsel vm14, $0x3F800000, v2  }
0x100: {  	v19 =	vadd.f32 v19, v18;
	v18 =	vadd.f32 v21, v20  }
.LBB2_10:
0x101: {  	v20 =	vadd.s32 s17, v14  }
0x102: {  	v21 =	vadd.s32 s17, v15;
	_ =	sdelay $0x3  }
0x103: {  	v20 =	vld.idx.msk [tilespmem:v20+s13+$0x0], $0xffff  }
0x104: {  	v21 =	vld.idx.msk [tilespmem:v21+s13+$0x0], $0xffff;
	_ =	sdelay $0x1  }
0x105: {  	p0 =	sne.s32 s17, $0x7E  }
.Ltmp4:
0x106: {  	_ = 	snop;
	(pc) =	sbr.rel @p0 .LBB2_10-.Ltmp4, $4  }
0x107: {  	_ = 	snop  }
0x108: {  	vm0 =	vgt.f32 v20, $0.0e+00;
	vm1 =	vgt.f32 v21, $0.0e+00  }
0x109: {  	v20 =	vsel vm0, $0x3F800000, v2;
	v21 =	vsel vm1, $0x3F800000, v2  }
0x10a: {  	s17 =	sadd.s32 $0x1, s17;
	v19 =	vadd.f32 v20, v19;
	v18 =	vadd.f32 v21, v18  }
0x10b: {  	_ =	sdelay $0x2  }
0x10c: {  	s15 =	sadd.s32 $0x1, s15  }
0x10d: {  	[tilespmem:v16+s13+$0x0] =	vst.idx.msk $0xffff, v19;
	p0 =	sne.s32 s15, s7  }
.Ltmp5:
0x10e: {  	[tilespmem:v17+s13+$0x0] =	vst.idx.msk $0xffff, v18;
	(pc) =	sbr.rel @p0 .LBB2_1-.Ltmp5, $4  }
0x10f: {  	[hbm4b:s6+s2] =	stream.linear.scatter [tilespmem:s13], [sflag:$0x4], $0x10A0, $0x38;
	[tilespmem:$0x4380] =	vst v63  }
0x110: {  	_ =	swait.ge [sflag:s14], $0x10A0  }
0x111: {  	[sflag:s14] =	ssyncset.done $0x0  }
0x112: {  	[sflag:s14] =	ssyncadd.s32 $0xFFFFEF60  }
0x113: {  	_ =	sfence.sel $0x180000  }
0x114: {  	[bflag:$0x0] =	sbarrier.arrive $0xFFFF  }
0x115: {  	p0 =	sne.s32 s0, $0x0;
	_ =	strace $0x90000047  }
0x116: {  	s0 =	sadd.s32 @!p0 $0x100000, s1;
	[bflag:$0x2] =	sbarrier.arrive $0xFFFF  }
0x117: {  	[sflag:s0] =	ssyncadd.tile.s32 @!p0 $0x1;
	_ =	shalt  }
.Lfunc_end2:
_tile_overlayer_lowered:
.L_overlay_start_2:
0x118: {  	(tag) =	ssettag $0x2  }
0x119: {  	s0 =	rddreg [dreg:$0x0];
	s2 =	stileid.u32  }
0x11a: {  	s1 =	rddreg [dreg:$0x1];
	p0 =	sne.s32 s2, $0x0  }
0x11b: {  	s3 =	rddreg [dreg:$0x2];
	[bflag:$0x3] =	sbarrier.arrive $0xFFFF;
	s2 =	simm.s32 @!p0 $0x1C04  }
0x11c: {  	[timem:s3], [sflag:s2] =	dma.local @!p0 [hbm:s0], s1  }
0x11d: {  	s0 =	simm.s32 @!p0 $0x4  }
0x11e: {  	_ =	swait.ge @!p0 [sflag:s0], s1  }
0x11f: {  	s1 =	ssub.s32 @!p0 $0x0, s1;
	[sflag:s0] =	ssyncset.done @!p0 $0x0  }
0x120: {  	[sflag:s0] =	ssyncadd.s32 @!p0 s1  }
0x121: {  	[bflag:$0x3] =	sbarrier.arrive $0xFFFF  }
0x122: {  	_ =	shalt  }

</sc_bundles>
